<compile_context>
chip_gen: v7x
topology: tpu7x:2x2x1
jax: 0.10.2.dev20260603
libtpu: 0.0.44.dev20260713+nightly
codegen_flags: <defaults>
</compile_context>

<pallas_src>
import functools

import jax
import jax.numpy as jnp
from jax import lax
from jax.experimental import pallas as pl
from jax.experimental.pallas import tpu as pltpu
from jax.experimental.pallas import tpu_sc as plsc

N_NODES = 10000
N_EDGES = 320000
D_FEAT = 128
HIDDEN = 16
N_CLASSES = 40

NC, NS = 2, 16
NW = NC * NS
EPT = 10240
E_PAD = NW * EPT
CHUNK = 128
NCHUNK = EPT // CHUNK
N_PAD = 10240
ROWS_PER_TILE = N_PAD // NS

_MESH = plsc.VectorSubcoreMesh(core_axis_name="c", subcore_axis_name="s",
                               num_cores=NC, num_subcores=NS)



def _sc_degree(dst_pad):

    @functools.partial(
        pl.kernel,
        out_type=jax.ShapeDtypeStruct((NC, N_PAD), jnp.float32),
        mesh=_MESH,
        scratch_types=[
            pltpu.VMEM((NCHUNK, CHUNK), jnp.int32),
            pltpu.VMEM((CHUNK,), jnp.float32),
            pltpu.VMEM((ROWS_PER_TILE,), jnp.float32),
            pltpu.VMEM_SHARED((N_PAD,), jnp.float32),
        ],
    )
    def k(dst_hbm, out_hbm, idx_v, ones_v, zero_v, acc):
        cid = lax.axis_index("c")
        sid = lax.axis_index("s")
        wid = sid * NC + cid

        @pl.loop(0, CHUNK // 16)
        def _(i):
            ones_v[pl.ds(i * 16, 16)] = jnp.full((16,), 1.0, jnp.float32)

        @pl.loop(0, ROWS_PER_TILE // 16)
        def _(i):
            zero_v[pl.ds(i * 16, 16)] = jnp.zeros((16,), jnp.float32)

        pltpu.sync_copy(zero_v, acc.at[pl.ds(sid * ROWS_PER_TILE, ROWS_PER_TILE)])
        pltpu.sync_copy(dst_hbm.at[wid], idx_v)
        plsc.subcore_barrier()

        @pl.loop(0, NCHUNK)
        def _(j):
            pltpu.sync_copy(ones_v, acc.at[idx_v.at[j]], add=True)

        plsc.subcore_barrier()
        pltpu.sync_copy(acc.at[pl.ds(sid * ROWS_PER_TILE, ROWS_PER_TILE)],
                        out_hbm.at[cid, pl.ds(sid * ROWS_PER_TILE, ROWS_PER_TILE)])

    return k(dst_pad)


def _sc_propagate(g_pad, src_pad, dst_pad, feat):

    @functools.partial(
        pl.kernel,
        out_type=jax.ShapeDtypeStruct((NC, N_PAD, feat), jnp.float32),
        mesh=_MESH,
        scratch_types=[
            pltpu.VMEM((NCHUNK, CHUNK), jnp.int32),
            pltpu.VMEM((NCHUNK, CHUNK), jnp.int32),
            pltpu.VMEM((CHUNK, feat), jnp.float32),
            pltpu.VMEM_SHARED((N_PAD, feat), jnp.float32),
            pltpu.SemaphoreType.DMA,
        ],
        compiler_params=pltpu.CompilerParams(use_tc_tiling_on_sc=False),
    )
    def k(g_hbm, src_hbm, dst_hbm, out_hbm, src_v, dst_v, rows_v, acc, sem):
        cid = lax.axis_index("c")
        sid = lax.axis_index("s")
        wid = sid * NC + cid
        rows = pl.ds(sid * ROWS_PER_TILE, ROWS_PER_TILE)

        pltpu.sync_copy(g_hbm.at[rows], acc.at[rows])
        pltpu.sync_copy(src_hbm.at[wid], src_v)
        pltpu.sync_copy(dst_hbm.at[wid], dst_v)
        plsc.subcore_barrier()

        @pl.loop(0, NCHUNK)
        def _(j):
            pltpu.async_copy(g_hbm.at[src_v.at[j]], rows_v, sem).wait()
            pltpu.sync_copy(rows_v, acc.at[dst_v.at[j]], add=True)

        plsc.subcore_barrier()
        pltpu.sync_copy(acc.at[rows], out_hbm.at[cid, rows])

    return k(g_pad, src_pad, dst_pad)



def _tc_layer1(x_pad, W1, degP):
    BLK = 1024
    grid = N_PAD // BLK

    def body(x_ref, w_ref, d_ref, g_ref, dis_ref):
        deg = d_ref[0, :, :] + d_ref[1, :, :] + 1.0
        dis = lax.rsqrt(deg)
        h = jnp.dot(x_ref[...], w_ref[...], preferred_element_type=jnp.float32)
        g_ref[...] = h * dis
        dis_ref[...] = dis

    return pl.pallas_call(
        body,
        grid=(grid,),
        in_specs=[
            pl.BlockSpec((BLK, D_FEAT), lambda i: (i, 0)),
            pl.BlockSpec((D_FEAT, HIDDEN), lambda i: (0, 0)),
            pl.BlockSpec((NC, BLK, 1), lambda i: (0, i, 0)),
        ],
        out_specs=[
            pl.BlockSpec((BLK, HIDDEN), lambda i: (i, 0)),
            pl.BlockSpec((BLK, 1), lambda i: (i, 0)),
        ],
        out_shape=[
            jax.ShapeDtypeStruct((N_PAD, HIDDEN), jnp.float32),
            jax.ShapeDtypeStruct((N_PAD, 1), jnp.float32),
        ],
    )(x_pad, W1, degP)


def _tc_layer2(p1, g1, dis, b1, W2):
    BLK = 1024
    grid = N_PAD // BLK

    def body(p_ref, g_ref, dis_ref, b_ref, w_ref, o_ref):
        acc = p_ref[0, :, :] + p_ref[1, :, :] - g_ref[...]
        out1 = jnp.maximum(acc * dis_ref[...] + b_ref[...], 0.0)
        h2 = jnp.dot(out1, w_ref[...], preferred_element_type=jnp.float32)
        o_ref[...] = h2 * dis_ref[...]

    return pl.pallas_call(
        body,
        grid=(grid,),
        in_specs=[
            pl.BlockSpec((NC, BLK, HIDDEN), lambda i: (0, i, 0)),
            pl.BlockSpec((BLK, HIDDEN), lambda i: (i, 0)),
            pl.BlockSpec((BLK, 1), lambda i: (i, 0)),
            pl.BlockSpec((1, HIDDEN), lambda i: (0, 0)),
            pl.BlockSpec((HIDDEN, N_CLASSES), lambda i: (0, 0)),
        ],
        out_specs=pl.BlockSpec((BLK, N_CLASSES), lambda i: (i, 0)),
        out_shape=jax.ShapeDtypeStruct((N_PAD, N_CLASSES), jnp.float32),
    )(p1, g1, dis, b1, W2)


def _tc_finish(p2, g2, dis, b2):
    BLK = 1000
    grid = N_NODES // BLK

    def body(p_ref, g_ref, dis_ref, b_ref, o_ref):
        acc = p_ref[0, :, :] + p_ref[1, :, :] - g_ref[...]
        h = acc * dis_ref[...] + b_ref[...]
        m = jnp.max(h, axis=1, keepdims=True)
        lse = jnp.log(jnp.sum(jnp.exp(h - m), axis=1, keepdims=True)) + m
        o_ref[...] = h - lse

    return pl.pallas_call(
        body,
        grid=(grid,),
        in_specs=[
            pl.BlockSpec((NC, BLK, N_CLASSES), lambda i: (0, i, 0)),
            pl.BlockSpec((BLK, N_CLASSES), lambda i: (i, 0)),
            pl.BlockSpec((BLK, 1), lambda i: (i, 0)),
            pl.BlockSpec((1, N_CLASSES), lambda i: (0, 0)),
        ],
        out_specs=pl.BlockSpec((BLK, N_CLASSES), lambda i: (i, 0)),
        out_shape=jax.ShapeDtypeStruct((N_NODES, N_CLASSES), jnp.float32),
    )(p2, g2, dis, b2)



def kernel(x, edge_index, W1, b1, W2, b2):
    src = edge_index[0].astype(jnp.int32)
    dst = edge_index[1].astype(jnp.int32)

    n_extra = E_PAD - N_EDGES
    pad_dst = N_NODES + (jnp.arange(n_extra, dtype=jnp.int32) % (N_PAD - N_NODES))
    src_pad = jnp.concatenate([src, pad_dst])
    dst_pad = jnp.concatenate([dst, pad_dst])
    src_pad = src_pad.reshape(NW, NCHUNK, CHUNK)
    dst_pad = dst_pad.reshape(NW, NCHUNK, CHUNK)

    x_pad = jnp.pad(x, ((0, N_PAD - N_NODES), (0, 0)))

    degP = _sc_degree(dst_pad)[:, :, None]
    g1, dis = _tc_layer1(x_pad, W1, degP)
    p1 = _sc_propagate(g1, src_pad, dst_pad, HIDDEN)
    g2 = _tc_layer2(p1, g1, dis, b1.reshape(1, HIDDEN), W2)
    p2 = _sc_propagate(g2, src_pad, dst_pad, N_CLASSES)
    return _tc_finish(p2, g2, dis, b2.reshape(1, N_CLASSES))

# --- scband reference (transcript-rebuilt; emitter-appended) ---
"""Pipeline reference for scband-gcn-65798898975079 (READ-ONLY COPY).

The authoritative reference and input builder live on the scoring server;
editing this copy changes nothing except your own understanding.
"""

import jax, jax.numpy as jnp
import numpy as np

N_NODES = 10000
N_EDGES = 320000
D_FEAT = 128
HIDDEN = 16
N_CLASSES = 40


def setup_inputs(seed: int = 0) -> dict:
    key = jax.random.key(seed)
    k1, k2, k3, k4, k5, k6 = jax.random.split(key, 6)
    x = jax.random.normal(k1, (N_NODES, D_FEAT), dtype=jnp.float32)
    edge_index = jax.random.randint(k2, (2, N_EDGES), 0, N_NODES, dtype=jnp.int64)
    # GCNConv weights (glorot-style scale) and biases
    W1 = jax.random.normal(k3, (D_FEAT, HIDDEN), dtype=jnp.float32) * (1.0 / np.sqrt(D_FEAT))
    b1 = jnp.zeros((HIDDEN,), dtype=jnp.float32)
    W2 = jax.random.normal(k4, (HIDDEN, N_CLASSES), dtype=jnp.float32) * (1.0 / np.sqrt(HIDDEN))
    b2 = jnp.zeros((N_CLASSES,), dtype=jnp.float32)
    return {"x": x, "edge_index": edge_index, "W1": W1, "b1": b1, "W2": W2, "b2": b2}


def _gcn_conv(x, edge_index, W, b):
    # x' = D^{-1/2} (A + I) D^{-1/2} X W + b   (PyG GCNConv default: add self-loops, symmetric norm)
    num_nodes = x.shape[0]
    h = x @ W
    loop = jnp.arange(num_nodes, dtype=edge_index.dtype)
    src = jnp.concatenate([edge_index[0], loop])
    dst = jnp.concatenate([edge_index[1], loop])
    deg = jnp.zeros((num_nodes,), dtype=h.dtype).at[dst].add(1.0)
    deg_inv_sqrt = jnp.where(deg > 0, jax.lax.rsqrt(jnp.maximum(deg, 1e-12)), 0.0)
    norm = deg_inv_sqrt[src] * deg_inv_sqrt[dst]
    msg = h[src] * norm[:, None]
    out = jnp.zeros_like(h).at[dst].add(msg)
    return out + b


def reference(x, edge_index, W1, b1, W2, b2):
    h = _gcn_conv(x, edge_index, W1, b1)
    h = jax.nn.relu(h)
    # dropout is identity in eval mode (training=False)
    h = _gcn_conv(h, edge_index, W2, b2)
    return jax.nn.log_softmax(h, axis=1)

if __name__ == "__main__":
    import jax
    _d = setup_inputs()
    print(jax.jit(kernel)(*tuple(_d.values())))

</pallas_src>

<mosaic_0001>
#map = affine_map<(d0, d1) -> (0, 0)>
#map1 = affine_map<(d0, d1) -> (0, 0, 0)>
module attributes {stable_mosaic.version = 14 : i64} {
  func.func @k(%arg0: i32, %arg1: i32, %arg2: memref<10240x40xf32, #tpu.memory_space<hbm>>, %arg3: memref<32x80x128xi32, #tpu.memory_space<hbm>>, %arg4: memref<32x80x128xi32, #tpu.memory_space<hbm>>, %arg5: memref<2x10240x40xf32, #tpu.memory_space<hbm>>, %arg6: memref<80x128xi32, #tpu.memory_space<vmem>>, %arg7: memref<80x128xi32, #tpu.memory_space<vmem>>, %arg8: memref<128x40xf32, #tpu.memory_space<vmem>>, %arg9: memref<10240x40xf32, #tpu.memory_space<vmem_shared>>, %arg10: memref<!tpu.dma_semaphore, #tpu.memory_space<semaphore_mem>>) attributes {dimension_semantics = [#tpu.dimension_semantics<core_parallel>, #tpu.dimension_semantics<subcore_parallel>], iteration_bounds = array<i64: 2, 16>, scalar_prefetch = 0 : i64, scratch_operands = 5 : i64, tpu.core_type = #tpu.core_type<sc_vector_subcore>, window_params = [{transform_indices = #map}, {transform_indices = #map1}, {transform_indices = #map1}, {transform_indices = #map1}]} {
    %mul3A = arith.constant 2 : i32
    %mul3A_0 = arith.muli %arg1, %mul3A : i32
    %add3A = arith.addi %mul3A_0, %arg0 : i32
    %mul3A_1 = arith.constant 640 : i32
    %mul3A_2 = arith.muli %arg1, %mul3A_1 : i32
    "tpu.region"() ({
      %run_scoped3A = tpu.sem_alloc : memref<!tpu.dma_semaphore, #tpu.memory_space<semaphore_mem>>
      %dma_start3A = arith.constant 0 : i32
      %dma_start3A_8 = tpu.memref_slice %arg9[%mul3A_2, %dma_start3A] : memref<10240x40xf32, #tpu.memory_space<vmem_shared>> -> memref<640x40xf32, #tpu.memory_space<vmem_shared>>
      %dma_start3A_9 = arith.constant 0 : i32
      %dma_start3A_10 = tpu.memref_slice %arg2[%mul3A_2, %dma_start3A_9] : memref<10240x40xf32, #tpu.memory_space<hbm>> -> memref<640x40xf32, #tpu.memory_space<hbm>>
      tpu.enqueue_dma source(%dma_start3A_10 : memref<640x40xf32, #tpu.memory_space<hbm>>) target(%dma_start3A_8 : memref<640x40xf32, #tpu.memory_space<vmem_shared>>) target_semaphore(%run_scoped3A : memref<!tpu.dma_semaphore, #tpu.memory_space<semaphore_mem>>)
      %dma_wait3A = arith.constant 0 : i32
      %dma_wait3A_11 = tpu.memref_slice %arg9[%mul3A_2, %dma_wait3A] : memref<10240x40xf32, #tpu.memory_space<vmem_shared>> -> memref<640x40xf32, #tpu.memory_space<vmem_shared>>
      %dma_wait3A_12 = arith.constant 0 : i32
      %dma_wait3A_13 = tpu.memref_slice %arg2[%mul3A_2, %dma_wait3A_12] : memref<10240x40xf32, #tpu.memory_space<hbm>> -> memref<640x40xf32, #tpu.memory_space<hbm>>
      tpu.wait_dma2 semaphore(%run_scoped3A : memref<!tpu.dma_semaphore, #tpu.memory_space<semaphore_mem>>) src(%dma_wait3A_13 : memref<640x40xf32, #tpu.memory_space<hbm>>) dst(%dma_wait3A_11 : memref<640x40xf32, #tpu.memory_space<vmem_shared>>)
      tpu.yield
    }) : () -> ()
    "tpu.region"() ({
      %run_scoped3A = tpu.sem_alloc : memref<!tpu.dma_semaphore, #tpu.memory_space<semaphore_mem>>
      %dma_start3A = arith.constant 0 : i32
      %dma_start3A_8 = arith.constant 0 : i32
      %dma_start3A_9 = tpu.memref_slice %arg3[%add3A, %dma_start3A, %dma_start3A_8] : memref<32x80x128xi32, #tpu.memory_space<hbm>> -> memref<1x80x128xi32, #tpu.memory_space<hbm>>
      %dma_start3A_10 = tpu.memref_squeeze %dma_start3A_9 : memref<1x80x128xi32, #tpu.memory_space<hbm>> -> memref<80x128xi32, #tpu.memory_space<hbm>>
      %dma_start3A_11 = arith.constant 0 : i32
      %dma_start3A_12 = arith.constant 0 : i32
      %dma_start3A_13 = tpu.memref_slice %arg3[%add3A, %dma_start3A_11, %dma_start3A_12] : memref<32x80x128xi32, #tpu.memory_space<hbm>> -> memref<1x80x128xi32, #tpu.memory_space<hbm>>
      %dma_start3A_14 = tpu.memref_squeeze %dma_start3A_13 : memref<1x80x128xi32, #tpu.memory_space<hbm>> -> memref<80x128xi32, #tpu.memory_space<hbm>>
      tpu.enqueue_dma source(%dma_start3A_14 : memref<80x128xi32, #tpu.memory_space<hbm>>) target(%arg6 : memref<80x128xi32, #tpu.memory_space<vmem>>) target_semaphore(%run_scoped3A : memref<!tpu.dma_semaphore, #tpu.memory_space<semaphore_mem>>)
      %dma_wait3A = arith.constant 0 : i32
      %dma_wait3A_15 = arith.constant 0 : i32
      %dma_wait3A_16 = tpu.memref_slice %arg3[%add3A, %dma_wait3A, %dma_wait3A_15] : memref<32x80x128xi32, #tpu.memory_space<hbm>> -> memref<1x80x128xi32, #tpu.memory_space<hbm>>
      %dma_wait3A_17 = tpu.memref_squeeze %dma_wait3A_16 : memref<1x80x128xi32, #tpu.memory_space<hbm>> -> memref<80x128xi32, #tpu.memory_space<hbm>>
      %dma_wait3A_18 = arith.constant 0 : i32
      %dma_wait3A_19 = arith.constant 0 : i32
      %dma_wait3A_20 = tpu.memref_slice %arg3[%add3A, %dma_wait3A_18, %dma_wait3A_19] : memref<32x80x128xi32, #tpu.memory_space<hbm>> -> memref<1x80x128xi32, #tpu.memory_space<hbm>>
      %dma_wait3A_21 = tpu.memref_squeeze %dma_wait3A_20 : memref<1x80x128xi32, #tpu.memory_space<hbm>> -> memref<80x128xi32, #tpu.memory_space<hbm>>
      tpu.wait_dma2 semaphore(%run_scoped3A : memref<!tpu.dma_semaphore, #tpu.memory_space<semaphore_mem>>) src(%dma_wait3A_21 : memref<80x128xi32, #tpu.memory_space<hbm>>) dst(%arg6 : memref<80x128xi32, #tpu.memory_space<vmem>>)
      tpu.yield
    }) : () -> ()
    "tpu.region"() ({
      %run_scoped3A = tpu.sem_alloc : memref<!tpu.dma_semaphore, #tpu.memory_space<semaphore_mem>>
      %dma_start3A = arith.constant 0 : i32
      %dma_start3A_8 = arith.constant 0 : i32
      %dma_start3A_9 = tpu.memref_slice %arg4[%add3A, %dma_start3A, %dma_start3A_8] : memref<32x80x128xi32, #tpu.memory_space<hbm>> -> memref<1x80x128xi32, #tpu.memory_space<hbm>>
      %dma_start3A_10 = tpu.memref_squeeze %dma_start3A_9 : memref<1x80x128xi32, #tpu.memory_space<hbm>> -> memref<80x128xi32, #tpu.memory_space<hbm>>
      %dma_start3A_11 = arith.constant 0 : i32
      %dma_start3A_12 = arith.constant 0 : i32
      %dma_start3A_13 = tpu.memref_slice %arg4[%add3A, %dma_start3A_11, %dma_start3A_12] : memref<32x80x128xi32, #tpu.memory_space<hbm>> -> memref<1x80x128xi32, #tpu.memory_space<hbm>>
      %dma_start3A_14 = tpu.memref_squeeze %dma_start3A_13 : memref<1x80x128xi32, #tpu.memory_space<hbm>> -> memref<80x128xi32, #tpu.memory_space<hbm>>
      tpu.enqueue_dma source(%dma_start3A_14 : memref<80x128xi32, #tpu.memory_space<hbm>>) target(%arg7 : memref<80x128xi32, #tpu.memory_space<vmem>>) target_semaphore(%run_scoped3A : memref<!tpu.dma_semaphore, #tpu.memory_space<semaphore_mem>>)
      %dma_wait3A = arith.constant 0 : i32
      %dma_wait3A_15 = arith.constant 0 : i32
      %dma_wait3A_16 = tpu.memref_slice %arg4[%add3A, %dma_wait3A, %dma_wait3A_15] : memref<32x80x128xi32, #tpu.memory_space<hbm>> -> memref<1x80x128xi32, #tpu.memory_space<hbm>>
      %dma_wait3A_17 = tpu.memref_squeeze %dma_wait3A_16 : memref<1x80x128xi32, #tpu.memory_space<hbm>> -> memref<80x128xi32, #tpu.memory_space<hbm>>
      %dma_wait3A_18 = arith.constant 0 : i32
      %dma_wait3A_19 = arith.constant 0 : i32
      %dma_wait3A_20 = tpu.memref_slice %arg4[%add3A, %dma_wait3A_18, %dma_wait3A_19] : memref<32x80x128xi32, #tpu.memory_space<hbm>> -> memref<1x80x128xi32, #tpu.memory_space<hbm>>
      %dma_wait3A_21 = tpu.memref_squeeze %dma_wait3A_20 : memref<1x80x128xi32, #tpu.memory_space<hbm>> -> memref<80x128xi32, #tpu.memory_space<hbm>>
      tpu.wait_dma2 semaphore(%run_scoped3A : memref<!tpu.dma_semaphore, #tpu.memory_space<semaphore_mem>>) src(%dma_wait3A_21 : memref<80x128xi32, #tpu.memory_space<hbm>>) dst(%arg7 : memref<80x128xi32, #tpu.memory_space<vmem>>)
      tpu.yield
    }) : () -> ()
    %barrier3A = arith.constant 0 : index
    tpu.barrier barrier_id(%barrier3A)
    %scan3A = arith.constant 0 : i32
    %scan3A_3 = arith.constant 80 : i32
    %scan3A_4 = arith.addi %scan3A, %scan3A_3 : i32
    %scan3A_5 = arith.constant 1 : i32
    scf.for %scan3A_8 = %scan3A to %scan3A_4 step %scan3A_5  : i32 {
      %mul3A_9 = arith.constant 1 : i32
      %mul3A_10 = arith.muli %scan3A_8, %mul3A_9 : i32
      %add3A_11 = arith.constant 0 : i32
      %add3A_12 = arith.addi %add3A_11, %mul3A_10 : i32
      %dma_start3A = arith.constant 0 : i32
      %dma_start3A_13 = tpu.memref_slice %arg6[%add3A_12, %dma_start3A] : memref<80x128xi32, #tpu.memory_space<vmem>> -> memref<1x128xi32, #tpu.memory_space<vmem>>
      %dma_start3A_14 = tpu.memref_squeeze %dma_start3A_13 : memref<1x128xi32, #tpu.memory_space<vmem>> -> memref<128xi32, #tpu.memory_space<vmem>>
      %dma_start3A_15 = arith.constant 0 : i32
      %dma_start3A_16 = arith.constant 0 : i32
      %dma_start3A_17 = tpu.memref_slice %arg2[%dma_start3A_15, %dma_start3A_16] : memref<10240x40xf32, #tpu.memory_space<hbm>> -> memref<10240x40xf32, #tpu.memory_space<hbm>>
      tpu.enqueue_indirect_dma source(%dma_start3A_17 : memref<10240x40xf32, #tpu.memory_space<hbm>>) target(%arg8 : memref<128x40xf32, #tpu.memory_space<vmem>>) offsets(%dma_start3A_14 : memref<128xi32, #tpu.memory_space<vmem>>) semaphore(%arg10 : memref<!tpu.dma_semaphore, #tpu.memory_space<semaphore_mem>>)
      %dma_wait3A = arith.constant 0 : i32
      %dma_wait3A_18 = tpu.memref_slice %arg6[%add3A_12, %dma_wait3A] : memref<80x128xi32, #tpu.memory_space<vmem>> -> memref<1x128xi32, #tpu.memory_space<vmem>>
      %dma_wait3A_19 = tpu.memref_squeeze %dma_wait3A_18 : memref<1x128xi32, #tpu.memory_space<vmem>> -> memref<128xi32, #tpu.memory_space<vmem>>
      %dma_wait3A_20 = arith.constant 0 : i32
      %dma_wait3A_21 = arith.constant 0 : i32
      %dma_wait3A_22 = tpu.memref_slice %arg2[%dma_wait3A_20, %dma_wait3A_21] : memref<10240x40xf32, #tpu.memory_space<hbm>> -> memref<10240x40xf32, #tpu.memory_space<hbm>>
      tpu.wait_indirect_dma semaphore(%arg10 : memref<!tpu.dma_semaphore, #tpu.memory_space<semaphore_mem>>) src(%dma_wait3A_22 : memref<10240x40xf32, #tpu.memory_space<hbm>>) dst(%arg8 : memref<128x40xf32, #tpu.memory_space<vmem>>)
      "tpu.region"() ({
        %run_scoped3A = tpu.sem_alloc : memref<!tpu.dma_semaphore, #tpu.memory_space<semaphore_mem>>
        %dma_start3A_23 = arith.constant 0 : i32
        %dma_start3A_24 = tpu.memref_slice %arg7[%add3A_12, %dma_start3A_23] : memref<80x128xi32, #tpu.memory_space<vmem>> -> memref<1x128xi32, #tpu.memory_space<vmem>>
        %dma_start3A_25 = tpu.memref_squeeze %dma_start3A_24 : memref<1x128xi32, #tpu.memory_space<vmem>> -> memref<128xi32, #tpu.memory_space<vmem>>
        %dma_start3A_26 = arith.constant 0 : i32
        %dma_start3A_27 = arith.constant 0 : i32
        %dma_start3A_28 = tpu.memref_slice %arg9[%dma_start3A_26, %dma_start3A_27] : memref<10240x40xf32, #tpu.memory_space<vmem_shared>> -> memref<10240x40xf32, #tpu.memory_space<vmem_shared>>
        tpu.enqueue_indirect_dma source(%arg8 : memref<128x40xf32, #tpu.memory_space<vmem>>) target(%dma_start3A_28 : memref<10240x40xf32, #tpu.memory_space<vmem_shared>>) offsets(%dma_start3A_25 : memref<128xi32, #tpu.memory_space<vmem>>) semaphore(%run_scoped3A : memref<!tpu.dma_semaphore, #tpu.memory_space<semaphore_mem>>) {add = true}
        %dma_wait3A_29 = arith.constant 0 : i32
        %dma_wait3A_30 = tpu.memref_slice %arg7[%add3A_12, %dma_wait3A_29] : memref<80x128xi32, #tpu.memory_space<vmem>> -> memref<1x128xi32, #tpu.memory_space<vmem>>
        %dma_wait3A_31 = tpu.memref_squeeze %dma_wait3A_30 : memref<1x128xi32, #tpu.memory_space<vmem>> -> memref<128xi32, #tpu.memory_space<vmem>>
        %dma_wait3A_32 = arith.constant 0 : i32
        %dma_wait3A_33 = arith.constant 0 : i32
        %dma_wait3A_34 = tpu.memref_slice %arg9[%dma_wait3A_32, %dma_wait3A_33] : memref<10240x40xf32, #tpu.memory_space<vmem_shared>> -> memref<10240x40xf32, #tpu.memory_space<vmem_shared>>
        tpu.wait_indirect_dma semaphore(%run_scoped3A : memref<!tpu.dma_semaphore, #tpu.memory_space<semaphore_mem>>) src(%arg8 : memref<128x40xf32, #tpu.memory_space<vmem>>) dst(%dma_wait3A_34 : memref<10240x40xf32, #tpu.memory_space<vmem_shared>>)
        tpu.yield
      }) : () -> ()
    }
    %scan3A_6 = arith.constant 80 : i32
    %barrier3A_7 = arith.constant 0 : index
    tpu.barrier barrier_id(%barrier3A_7)
    "tpu.region"() ({
      %run_scoped3A = tpu.sem_alloc : memref<!tpu.dma_semaphore, #tpu.memory_space<semaphore_mem>>
      %dma_start3A = arith.constant 0 : i32
      %dma_start3A_8 = tpu.memref_slice %arg5[%arg0, %mul3A_2, %dma_start3A] : memref<2x10240x40xf32, #tpu.memory_space<hbm>> -> memref<1x640x40xf32, #tpu.memory_space<hbm>>
      %dma_start3A_9 = tpu.memref_squeeze %dma_start3A_8 : memref<1x640x40xf32, #tpu.memory_space<hbm>> -> memref<640x40xf32, #tpu.memory_space<hbm>>
      %dma_start3A_10 = arith.constant 0 : i32
      %dma_start3A_11 = tpu.memref_slice %arg9[%mul3A_2, %dma_start3A_10] : memref<10240x40xf32, #tpu.memory_space<vmem_shared>> -> memref<640x40xf32, #tpu.memory_space<vmem_shared>>
      tpu.enqueue_dma source(%dma_start3A_11 : memref<640x40xf32, #tpu.memory_space<vmem_shared>>) target(%dma_start3A_9 : memref<640x40xf32, #tpu.memory_space<hbm>>) target_semaphore(%run_scoped3A : memref<!tpu.dma_semaphore, #tpu.memory_space<semaphore_mem>>)
      %dma_wait3A = arith.constant 0 : i32
      %dma_wait3A_12 = tpu.memref_slice %arg5[%arg0, %mul3A_2, %dma_wait3A] : memref<2x10240x40xf32, #tpu.memory_space<hbm>> -> memref<1x640x40xf32, #tpu.memory_space<hbm>>
      %dma_wait3A_13 = tpu.memref_squeeze %dma_wait3A_12 : memref<1x640x40xf32, #tpu.memory_space<hbm>> -> memref<640x40xf32, #tpu.memory_space<hbm>>
      %dma_wait3A_14 = arith.constant 0 : i32
      %dma_wait3A_15 = tpu.memref_slice %arg9[%mul3A_2, %dma_wait3A_14] : memref<10240x40xf32, #tpu.memory_space<vmem_shared>> -> memref<640x40xf32, #tpu.memory_space<vmem_shared>>
      tpu.wait_dma2 semaphore(%run_scoped3A : memref<!tpu.dma_semaphore, #tpu.memory_space<semaphore_mem>>) src(%dma_wait3A_15 : memref<640x40xf32, #tpu.memory_space<vmem_shared>>) dst(%dma_wait3A_13 : memref<640x40xf32, #tpu.memory_space<hbm>>)
      tpu.yield
    }) : () -> ()
    return
  }
}

#map = affine_map<(d0, d1) -> (0, 0, 0)>
#map1 = affine_map<(d0, d1) -> (0, 0)>
module attributes {stable_mosaic.version = 14 : i64} {
  func.func @k(%arg0: i32, %arg1: i32, %arg2: memref<32x80x128xi32, #tpu.memory_space<hbm>>, %arg3: memref<2x10240xf32, #tpu.memory_space<hbm>>, %arg4: memref<80x128xi32, #tpu.memory_space<vmem>>, %arg5: memref<128xf32, #tpu.memory_space<vmem>>, %arg6: memref<640xf32, #tpu.memory_space<vmem>>, %arg7: memref<10240xf32, #tpu.memory_space<vmem_shared>>) attributes {dimension_semantics = [#tpu.dimension_semantics<core_parallel>, #tpu.dimension_semantics<subcore_parallel>], iteration_bounds = array<i64: 2, 16>, scalar_prefetch = 0 : i64, scratch_operands = 4 : i64, tpu.core_type = #tpu.core_type<sc_vector_subcore>, window_params = [{transform_indices = #map}, {transform_indices = #map1}]} {
    %mul3A = arith.constant 2 : i32
    %mul3A_0 = arith.muli %arg1, %mul3A : i32
    %add3A = arith.addi %mul3A_0, %arg0 : i32
    %scan3A = arith.constant 0 : i32
    %scan3A_1 = arith.constant 8 : i32
    %scan3A_2 = arith.addi %scan3A, %scan3A_1 : i32
    %scan3A_3 = arith.constant 1 : i32
    scf.for %scan3A_22 = %scan3A to %scan3A_2 step %scan3A_3  : i32 {
      %mul3A_23 = arith.constant 1 : i32
      %mul3A_24 = arith.muli %scan3A_22, %mul3A_23 : i32
      %add3A_25 = arith.constant 0 : i32
      %add3A_26 = arith.addi %add3A_25, %mul3A_24 : i32
      %broadcast_in_dim3A = arith.constant 1.000000e+00 : f32
      %broadcast_in_dim3A_27 = vector.broadcast %broadcast_in_dim3A : f32 to vector<16xf32>
      %mul3A_28 = arith.constant 16 : i32
      %mul3A_29 = arith.muli %add3A_26, %mul3A_28 : i32
      %swap3A = arith.index_cast %mul3A_29 : i32 to index
      %swap3A_30 = tpu.vector_load %arg5[%swap3A] {strides = array<i32>} : memref<128xf32, #tpu.memory_space<vmem>>, vector<16xf32>,
      %swap3A_31 = vector.shape_cast %swap3A_30 : vector<16xf32> to vector<16xf32>
      %swap3A_32 = vector.shape_cast %broadcast_in_dim3A_27 : vector<16xf32> to vector<16xf32>
      tpu.vector_store %arg5[%swap3A], %swap3A_32 {strides = array<i32>} : memref<128xf32, #tpu.memory_space<vmem>>, vector<16xf32>,
    }
    %scan3A_4 = arith.constant 8 : i32
    %scan3A_5 = arith.constant 0 : i32
    %scan3A_6 = arith.constant 40 : i32
    %scan3A_7 = arith.addi %scan3A_5, %scan3A_6 : i32
    %scan3A_8 = arith.constant 1 : i32
    scf.for %scan3A_22 = %scan3A_5 to %scan3A_7 step %scan3A_8  : i32 {
      %mul3A_23 = arith.constant 1 : i32
      %mul3A_24 = arith.muli %scan3A_22, %mul3A_23 : i32
      %add3A_25 = arith.constant 0 : i32
      %add3A_26 = arith.addi %add3A_25, %mul3A_24 : i32
      %broadcast_in_dim3A = arith.constant 0.000000e+00 : f32
      %broadcast_in_dim3A_27 = vector.broadcast %broadcast_in_dim3A : f32 to vector<16xf32>
      %mul3A_28 = arith.constant 16 : i32
      %mul3A_29 = arith.muli %add3A_26, %mul3A_28 : i32
      %swap3A = arith.index_cast %mul3A_29 : i32 to index
      %swap3A_30 = tpu.vector_load %arg6[%swap3A] {strides = array<i32>} : memref<640xf32, #tpu.memory_space<vmem>>, vector<16xf32>,
      %swap3A_31 = vector.shape_cast %swap3A_30 : vector<16xf32> to vector<16xf32>
      %swap3A_32 = vector.shape_cast %broadcast_in_dim3A_27 : vector<16xf32> to vector<16xf32>
      tpu.vector_store %arg6[%swap3A], %swap3A_32 {strides = array<i32>} : memref<640xf32, #tpu.memory_space<vmem>>, vector<16xf32>,
    }
    %scan3A_9 = arith.constant 40 : i32
    %mul3A_10 = arith.constant 640 : i32
    %mul3A_11 = arith.muli %arg1, %mul3A_10 : i32
    "tpu.region"() ({
      %run_scoped3A = tpu.sem_alloc : memref<!tpu.dma_semaphore, #tpu.memory_space<semaphore_mem>>
      %dma_start3A = tpu.memref_slice %arg7[%mul3A_11] : memref<10240xf32, #tpu.memory_space<vmem_shared>> -> memref<640xf32, #tpu.memory_space<vmem_shared>>
      %dma_start3A_22 = tpu.memref_slice %arg7[%mul3A_11] : memref<10240xf32, #tpu.memory_space<vmem_shared>> -> memref<640xf32, #tpu.memory_space<vmem_shared>>
      tpu.enqueue_dma source(%arg6 : memref<640xf32, #tpu.memory_space<vmem>>) target(%dma_start3A_22 : memref<640xf32, #tpu.memory_space<vmem_shared>>) target_semaphore(%run_scoped3A : memref<!tpu.dma_semaphore, #tpu.memory_space<semaphore_mem>>)
      %dma_wait3A = tpu.memref_slice %arg7[%mul3A_11] : memref<10240xf32, #tpu.memory_space<vmem_shared>> -> memref<640xf32, #tpu.memory_space<vmem_shared>>
      %dma_wait3A_23 = tpu.memref_slice %arg7[%mul3A_11] : memref<10240xf32, #tpu.memory_space<vmem_shared>> -> memref<640xf32, #tpu.memory_space<vmem_shared>>
      tpu.wait_dma2 semaphore(%run_scoped3A : memref<!tpu.dma_semaphore, #tpu.memory_space<semaphore_mem>>) src(%arg6 : memref<640xf32, #tpu.memory_space<vmem>>) dst(%dma_wait3A_23 : memref<640xf32, #tpu.memory_space<vmem_shared>>)
      tpu.yield
    }) : () -> ()
    "tpu.region"() ({
      %run_scoped3A = tpu.sem_alloc : memref<!tpu.dma_semaphore, #tpu.memory_space<semaphore_mem>>
      %dma_start3A = arith.constant 0 : i32
      %dma_start3A_22 = arith.constant 0 : i32
      %dma_start3A_23 = tpu.memref_slice %arg2[%add3A, %dma_start3A, %dma_start3A_22] : memref<32x80x128xi32, #tpu.memory_space<hbm>> -> memref<1x80x128xi32, #tpu.memory_space<hbm>>
      %dma_start3A_24 = tpu.memref_squeeze %dma_start3A_23 : memref<1x80x128xi32, #tpu.memory_space<hbm>> -> memref<80x128xi32, #tpu.memory_space<hbm>>
      %dma_start3A_25 = arith.constant 0 : i32
      %dma_start3A_26 = arith.constant 0 : i32
      %dma_start3A_27 = tpu.memref_slice %arg2[%add3A, %dma_start3A_25, %dma_start3A_26] : memref<32x80x128xi32, #tpu.memory_space<hbm>> -> memref<1x80x128xi32, #tpu.memory_space<hbm>>
      %dma_start3A_28 = tpu.memref_squeeze %dma_start3A_27 : memref<1x80x128xi32, #tpu.memory_space<hbm>> -> memref<80x128xi32, #tpu.memory_space<hbm>>
      tpu.enqueue_dma source(%dma_start3A_28 : memref<80x128xi32, #tpu.memory_space<hbm>>) target(%arg4 : memref<80x128xi32, #tpu.memory_space<vmem>>) target_semaphore(%run_scoped3A : memref<!tpu.dma_semaphore, #tpu.memory_space<semaphore_mem>>)
      %dma_wait3A = arith.constant 0 : i32
      %dma_wait3A_29 = arith.constant 0 : i32
      %dma_wait3A_30 = tpu.memref_slice %arg2[%add3A, %dma_wait3A, %dma_wait3A_29] : memref<32x80x128xi32, #tpu.memory_space<hbm>> -> memref<1x80x128xi32, #tpu.memory_space<hbm>>
      %dma_wait3A_31 = tpu.memref_squeeze %dma_wait3A_30 : memref<1x80x128xi32, #tpu.memory_space<hbm>> -> memref<80x128xi32, #tpu.memory_space<hbm>>
      %dma_wait3A_32 = arith.constant 0 : i32
      %dma_wait3A_33 = arith.constant 0 : i32
      %dma_wait3A_34 = tpu.memref_slice %arg2[%add3A, %dma_wait3A_32, %dma_wait3A_33] : memref<32x80x128xi32, #tpu.memory_space<hbm>> -> memref<1x80x128xi32, #tpu.memory_space<hbm>>
      %dma_wait3A_35 = tpu.memref_squeeze %dma_wait3A_34 : memref<1x80x128xi32, #tpu.memory_space<hbm>> -> memref<80x128xi32, #tpu.memory_space<hbm>>
      tpu.wait_dma2 semaphore(%run_scoped3A : memref<!tpu.dma_semaphore, #tpu.memory_space<semaphore_mem>>) src(%dma_wait3A_35 : memref<80x128xi32, #tpu.memory_space<hbm>>) dst(%arg4 : memref<80x128xi32, #tpu.memory_space<vmem>>)
      tpu.yield
    }) : () -> ()
    %barrier3A = arith.constant 0 : index
    tpu.barrier barrier_id(%barrier3A)
    %scan3A_12 = arith.constant 0 : i32
    %scan3A_13 = arith.constant 80 : i32
    %scan3A_14 = arith.addi %scan3A_12, %scan3A_13 : i32
    %scan3A_15 = arith.constant 1 : i32
    scf.for %scan3A_22 = %scan3A_12 to %scan3A_14 step %scan3A_15  : i32 {
      %mul3A_23 = arith.constant 1 : i32
      %mul3A_24 = arith.muli %scan3A_22, %mul3A_23 : i32
      %add3A_25 = arith.constant 0 : i32
      %add3A_26 = arith.addi %add3A_25, %mul3A_24 : i32
      "tpu.region"() ({
        %run_scoped3A = tpu.sem_alloc : memref<!tpu.dma_semaphore, #tpu.memory_space<semaphore_mem>>
        %dma_start3A = arith.constant 0 : i32
        %dma_start3A_27 = tpu.memref_slice %arg4[%add3A_26, %dma_start3A] : memref<80x128xi32, #tpu.memory_space<vmem>> -> memref<1x128xi32, #tpu.memory_space<vmem>>
        %dma_start3A_28 = tpu.memref_squeeze %dma_start3A_27 : memref<1x128xi32, #tpu.memory_space<vmem>> -> memref<128xi32, #tpu.memory_space<vmem>>
        %dma_start3A_29 = arith.constant 0 : i32
        %dma_start3A_30 = tpu.memref_slice %arg7[%dma_start3A_29] : memref<10240xf32, #tpu.memory_space<vmem_shared>> -> memref<10240xf32, #tpu.memory_space<vmem_shared>>
        tpu.enqueue_indirect_dma source(%arg5 : memref<128xf32, #tpu.memory_space<vmem>>) target(%dma_start3A_30 : memref<10240xf32, #tpu.memory_space<vmem_shared>>) offsets(%dma_start3A_28 : memref<128xi32, #tpu.memory_space<vmem>>) semaphore(%run_scoped3A : memref<!tpu.dma_semaphore, #tpu.memory_space<semaphore_mem>>) {add = true}
        %dma_wait3A = arith.constant 0 : i32
        %dma_wait3A_31 = tpu.memref_slice %arg4[%add3A_26, %dma_wait3A] : memref<80x128xi32, #tpu.memory_space<vmem>> -> memref<1x128xi32, #tpu.memory_space<vmem>>
        %dma_wait3A_32 = tpu.memref_squeeze %dma_wait3A_31 : memref<1x128xi32, #tpu.memory_space<vmem>> -> memref<128xi32, #tpu.memory_space<vmem>>
        %dma_wait3A_33 = arith.constant 0 : i32
        %dma_wait3A_34 = tpu.memref_slice %arg7[%dma_wait3A_33] : memref<10240xf32, #tpu.memory_space<vmem_shared>> -> memref<10240xf32, #tpu.memory_space<vmem_shared>>
        tpu.wait_indirect_dma semaphore(%run_scoped3A : memref<!tpu.dma_semaphore, #tpu.memory_space<semaphore_mem>>) src(%arg5 : memref<128xf32, #tpu.memory_space<vmem>>) dst(%dma_wait3A_34 : memref<10240xf32, #tpu.memory_space<vmem_shared>>)
        tpu.yield
      }) : () -> ()
    }
    %scan3A_16 = arith.constant 80 : i32
    %barrier3A_17 = arith.constant 0 : index
    tpu.barrier barrier_id(%barrier3A_17)
    %mul3A_18 = arith.constant 640 : i32
    %mul3A_19 = arith.muli %arg1, %mul3A_18 : i32
    %mul3A_20 = arith.constant 640 : i32
    %mul3A_21 = arith.muli %arg1, %mul3A_20 : i32
    "tpu.region"() ({
      %run_scoped3A = tpu.sem_alloc : memref<!tpu.dma_semaphore, #tpu.memory_space<semaphore_mem>>
      %dma_start3A = tpu.memref_slice %arg3[%arg0, %mul3A_21] : memref<2x10240xf32, #tpu.memory_space<hbm>> -> memref<1x640xf32, #tpu.memory_space<hbm>>
      %dma_start3A_22 = tpu.memref_squeeze %dma_start3A : memref<1x640xf32, #tpu.memory_space<hbm>> -> memref<640xf32, #tpu.memory_space<hbm>>
      %dma_start3A_23 = tpu.memref_slice %arg7[%mul3A_19] : memref<10240xf32, #tpu.memory_space<vmem_shared>> -> memref<640xf32, #tpu.memory_space<vmem_shared>>
      tpu.enqueue_dma source(%dma_start3A_23 : memref<640xf32, #tpu.memory_space<vmem_shared>>) target(%dma_start3A_22 : memref<640xf32, #tpu.memory_space<hbm>>) target_semaphore(%run_scoped3A : memref<!tpu.dma_semaphore, #tpu.memory_space<semaphore_mem>>)
      %dma_wait3A = tpu.memref_slice %arg3[%arg0, %mul3A_21] : memref<2x10240xf32, #tpu.memory_space<hbm>> -> memref<1x640xf32, #tpu.memory_space<hbm>>
      %dma_wait3A_24 = tpu.memref_squeeze %dma_wait3A : memref<1x640xf32, #tpu.memory_space<hbm>> -> memref<640xf32, #tpu.memory_space<hbm>>
      %dma_wait3A_25 = tpu.memref_slice %arg7[%mul3A_19] : memref<10240xf32, #tpu.memory_space<vmem_shared>> -> memref<640xf32, #tpu.memory_space<vmem_shared>>
      tpu.wait_dma2 semaphore(%run_scoped3A : memref<!tpu.dma_semaphore, #tpu.memory_space<semaphore_mem>>) src(%dma_wait3A_25 : memref<640xf32, #tpu.memory_space<vmem_shared>>) dst(%dma_wait3A_24 : memref<640xf32, #tpu.memory_space<hbm>>)
      tpu.yield
    }) : () -> ()
    return
  }
}

#map = affine_map<(d0, d1) -> (0, 0)>
#map1 = affine_map<(d0, d1) -> (0, 0, 0)>
module attributes {stable_mosaic.version = 14 : i64} {
  func.func @k(%arg0: i32, %arg1: i32, %arg2: memref<10240x16xf32, #tpu.memory_space<hbm>>, %arg3: memref<32x80x128xi32, #tpu.memory_space<hbm>>, %arg4: memref<32x80x128xi32, #tpu.memory_space<hbm>>, %arg5: memref<2x10240x16xf32, #tpu.memory_space<hbm>>, %arg6: memref<80x128xi32, #tpu.memory_space<vmem>>, %arg7: memref<80x128xi32, #tpu.memory_space<vmem>>, %arg8: memref<128x16xf32, #tpu.memory_space<vmem>>, %arg9: memref<10240x16xf32, #tpu.memory_space<vmem_shared>>, %arg10: memref<!tpu.dma_semaphore, #tpu.memory_space<semaphore_mem>>) attributes {dimension_semantics = [#tpu.dimension_semantics<core_parallel>, #tpu.dimension_semantics<subcore_parallel>], iteration_bounds = array<i64: 2, 16>, scalar_prefetch = 0 : i64, scratch_operands = 5 : i64, tpu.core_type = #tpu.core_type<sc_vector_subcore>, window_params = [{transform_indices = #map}, {transform_indices = #map1}, {transform_indices = #map1}, {transform_indices = #map1}]} {
    %mul3A = arith.constant 2 : i32
    %mul3A_0 = arith.muli %arg1, %mul3A : i32
    %add3A = arith.addi %mul3A_0, %arg0 : i32
    %mul3A_1 = arith.constant 640 : i32
    %mul3A_2 = arith.muli %arg1, %mul3A_1 : i32
    "tpu.region"() ({
      %run_scoped3A = tpu.sem_alloc : memref<!tpu.dma_semaphore, #tpu.memory_space<semaphore_mem>>
      %dma_start3A = arith.constant 0 : i32
      %dma_start3A_8 = tpu.memref_slice %arg9[%mul3A_2, %dma_start3A] : memref<10240x16xf32, #tpu.memory_space<vmem_shared>> -> memref<640x16xf32, #tpu.memory_space<vmem_shared>>
      %dma_start3A_9 = arith.constant 0 : i32
      %dma_start3A_10 = tpu.memref_slice %arg2[%mul3A_2, %dma_start3A_9] : memref<10240x16xf32, #tpu.memory_space<hbm>> -> memref<640x16xf32, #tpu.memory_space<hbm>>
      tpu.enqueue_dma source(%dma_start3A_10 : memref<640x16xf32, #tpu.memory_space<hbm>>) target(%dma_start3A_8 : memref<640x16xf32, #tpu.memory_space<vmem_shared>>) target_semaphore(%run_scoped3A : memref<!tpu.dma_semaphore, #tpu.memory_space<semaphore_mem>>)
      %dma_wait3A = arith.constant 0 : i32
      %dma_wait3A_11 = tpu.memref_slice %arg9[%mul3A_2, %dma_wait3A] : memref<10240x16xf32, #tpu.memory_space<vmem_shared>> -> memref<640x16xf32, #tpu.memory_space<vmem_shared>>
      %dma_wait3A_12 = arith.constant 0 : i32
      %dma_wait3A_13 = tpu.memref_slice %arg2[%mul3A_2, %dma_wait3A_12] : memref<10240x16xf32, #tpu.memory_space<hbm>> -> memref<640x16xf32, #tpu.memory_space<hbm>>
      tpu.wait_dma2 semaphore(%run_scoped3A : memref<!tpu.dma_semaphore, #tpu.memory_space<semaphore_mem>>) src(%dma_wait3A_13 : memref<640x16xf32, #tpu.memory_space<hbm>>) dst(%dma_wait3A_11 : memref<640x16xf32, #tpu.memory_space<vmem_shared>>)
      tpu.yield
    }) : () -> ()
    "tpu.region"() ({
      %run_scoped3A = tpu.sem_alloc : memref<!tpu.dma_semaphore, #tpu.memory_space<semaphore_mem>>
      %dma_start3A = arith.constant 0 : i32
      %dma_start3A_8 = arith.constant 0 : i32
      %dma_start3A_9 = tpu.memref_slice %arg3[%add3A, %dma_start3A, %dma_start3A_8] : memref<32x80x128xi32, #tpu.memory_space<hbm>> -> memref<1x80x128xi32, #tpu.memory_space<hbm>>
      %dma_start3A_10 = tpu.memref_squeeze %dma_start3A_9 : memref<1x80x128xi32, #tpu.memory_space<hbm>> -> memref<80x128xi32, #tpu.memory_space<hbm>>
      %dma_start3A_11 = arith.constant 0 : i32
      %dma_start3A_12 = arith.constant 0 : i32
      %dma_start3A_13 = tpu.memref_slice %arg3[%add3A, %dma_start3A_11, %dma_start3A_12] : memref<32x80x128xi32, #tpu.memory_space<hbm>> -> memref<1x80x128xi32, #tpu.memory_space<hbm>>
      %dma_start3A_14 = tpu.memref_squeeze %dma_start3A_13 : memref<1x80x128xi32, #tpu.memory_space<hbm>> -> memref<80x128xi32, #tpu.memory_space<hbm>>
      tpu.enqueue_dma source(%dma_start3A_14 : memref<80x128xi32, #tpu.memory_space<hbm>>) target(%arg6 : memref<80x128xi32, #tpu.memory_space<vmem>>) target_semaphore(%run_scoped3A : memref<!tpu.dma_semaphore, #tpu.memory_space<semaphore_mem>>)
      %dma_wait3A = arith.constant 0 : i32
      %dma_wait3A_15 = arith.constant 0 : i32
      %dma_wait3A_16 = tpu.memref_slice %arg3[%add3A, %dma_wait3A, %dma_wait3A_15] : memref<32x80x128xi32, #tpu.memory_space<hbm>> -> memref<1x80x128xi32, #tpu.memory_space<hbm>>
      %dma_wait3A_17 = tpu.memref_squeeze %dma_wait3A_16 : memref<1x80x128xi32, #tpu.memory_space<hbm>> -> memref<80x128xi32, #tpu.memory_space<hbm>>
      %dma_wait3A_18 = arith.constant 0 : i32
      %dma_wait3A_19 = arith.constant 0 : i32
      %dma_wait3A_20 = tpu.memref_slice %arg3[%add3A, %dma_wait3A_18, %dma_wait3A_19] : memref<32x80x128xi32, #tpu.memory_space<hbm>> -> memref<1x80x128xi32, #tpu.memory_space<hbm>>
      %dma_wait3A_21 = tpu.memref_squeeze %dma_wait3A_20 : memref<1x80x128xi32, #tpu.memory_space<hbm>> -> memref<80x128xi32, #tpu.memory_space<hbm>>
      tpu.wait_dma2 semaphore(%run_scoped3A : memref<!tpu.dma_semaphore, #tpu.memory_space<semaphore_mem>>) src(%dma_wait3A_21 : memref<80x128xi32, #tpu.memory_space<hbm>>) dst(%arg6 : memref<80x128xi32, #tpu.memory_space<vmem>>)
      tpu.yield
    }) : () -> ()
    "tpu.region"() ({
      %run_scoped3A = tpu.sem_alloc : memref<!tpu.dma_semaphore, #tpu.memory_space<semaphore_mem>>
      %dma_start3A = arith.constant 0 : i32
      %dma_start3A_8 = arith.constant 0 : i32
      %dma_start3A_9 = tpu.memref_slice %arg4[%add3A, %dma_start3A, %dma_start3A_8] : memref<32x80x128xi32, #tpu.memory_space<hbm>> -> memref<1x80x128xi32, #tpu.memory_space<hbm>>
      %dma_start3A_10 = tpu.memref_squeeze %dma_start3A_9 : memref<1x80x128xi32, #tpu.memory_space<hbm>> -> memref<80x128xi32, #tpu.memory_space<hbm>>
      %dma_start3A_11 = arith.constant 0 : i32
      %dma_start3A_12 = arith.constant 0 : i32
      %dma_start3A_13 = tpu.memref_slice %arg4[%add3A, %dma_start3A_11, %dma_start3A_12] : memref<32x80x128xi32, #tpu.memory_space<hbm>> -> memref<1x80x128xi32, #tpu.memory_space<hbm>>
      %dma_start3A_14 = tpu.memref_squeeze %dma_start3A_13 : memref<1x80x128xi32, #tpu.memory_space<hbm>> -> memref<80x128xi32, #tpu.memory_space<hbm>>
      tpu.enqueue_dma source(%dma_start3A_14 : memref<80x128xi32, #tpu.memory_space<hbm>>) target(%arg7 : memref<80x128xi32, #tpu.memory_space<vmem>>) target_semaphore(%run_scoped3A : memref<!tpu.dma_semaphore, #tpu.memory_space<semaphore_mem>>)
      %dma_wait3A = arith.constant 0 : i32
      %dma_wait3A_15 = arith.constant 0 : i32
      %dma_wait3A_16 = tpu.memref_slice %arg4[%add3A, %dma_wait3A, %dma_wait3A_15] : memref<32x80x128xi32, #tpu.memory_space<hbm>> -> memref<1x80x128xi32, #tpu.memory_space<hbm>>
      %dma_wait3A_17 = tpu.memref_squeeze %dma_wait3A_16 : memref<1x80x128xi32, #tpu.memory_space<hbm>> -> memref<80x128xi32, #tpu.memory_space<hbm>>
      %dma_wait3A_18 = arith.constant 0 : i32
      %dma_wait3A_19 = arith.constant 0 : i32
      %dma_wait3A_20 = tpu.memref_slice %arg4[%add3A, %dma_wait3A_18, %dma_wait3A_19] : memref<32x80x128xi32, #tpu.memory_space<hbm>> -> memref<1x80x128xi32, #tpu.memory_space<hbm>>
      %dma_wait3A_21 = tpu.memref_squeeze %dma_wait3A_20 : memref<1x80x128xi32, #tpu.memory_space<hbm>> -> memref<80x128xi32, #tpu.memory_space<hbm>>
      tpu.wait_dma2 semaphore(%run_scoped3A : memref<!tpu.dma_semaphore, #tpu.memory_space<semaphore_mem>>) src(%dma_wait3A_21 : memref<80x128xi32, #tpu.memory_space<hbm>>) dst(%arg7 : memref<80x128xi32, #tpu.memory_space<vmem>>)
      tpu.yield
    }) : () -> ()
    %barrier3A = arith.constant 0 : index
    tpu.barrier barrier_id(%barrier3A)
    %scan3A = arith.constant 0 : i32
    %scan3A_3 = arith.constant 80 : i32
    %scan3A_4 = arith.addi %scan3A, %scan3A_3 : i32
    %scan3A_5 = arith.constant 1 : i32
    scf.for %scan3A_8 = %scan3A to %scan3A_4 step %scan3A_5  : i32 {
      %mul3A_9 = arith.constant 1 : i32
      %mul3A_10 = arith.muli %scan3A_8, %mul3A_9 : i32
      %add3A_11 = arith.constant 0 : i32
      %add3A_12 = arith.addi %add3A_11, %mul3A_10 : i32
      %dma_start3A = arith.constant 0 : i32
      %dma_start3A_13 = tpu.memref_slice %arg6[%add3A_12, %dma_start3A] : memref<80x128xi32, #tpu.memory_space<vmem>> -> memref<1x128xi32, #tpu.memory_space<vmem>>
      %dma_start3A_14 = tpu.memref_squeeze %dma_start3A_13 : memref<1x128xi32, #tpu.memory_space<vmem>> -> memref<128xi32, #tpu.memory_space<vmem>>
      %dma_start3A_15 = arith.constant 0 : i32
      %dma_start3A_16 = arith.constant 0 : i32
      %dma_start3A_17 = tpu.memref_slice %arg2[%dma_start3A_15, %dma_start3A_16] : memref<10240x16xf32, #tpu.memory_space<hbm>> -> memref<10240x16xf32, #tpu.memory_space<hbm>>
      tpu.enqueue_indirect_dma source(%dma_start3A_17 : memref<10240x16xf32, #tpu.memory_space<hbm>>) target(%arg8 : memref<128x16xf32, #tpu.memory_space<vmem>>) offsets(%dma_start3A_14 : memref<128xi32, #tpu.memory_space<vmem>>) semaphore(%arg10 : memref<!tpu.dma_semaphore, #tpu.memory_space<semaphore_mem>>)
      %dma_wait3A = arith.constant 0 : i32
      %dma_wait3A_18 = tpu.memref_slice %arg6[%add3A_12, %dma_wait3A] : memref<80x128xi32, #tpu.memory_space<vmem>> -> memref<1x128xi32, #tpu.memory_space<vmem>>
      %dma_wait3A_19 = tpu.memref_squeeze %dma_wait3A_18 : memref<1x128xi32, #tpu.memory_space<vmem>> -> memref<128xi32, #tpu.memory_space<vmem>>
      %dma_wait3A_20 = arith.constant 0 : i32
      %dma_wait3A_21 = arith.constant 0 : i32
      %dma_wait3A_22 = tpu.memref_slice %arg2[%dma_wait3A_20, %dma_wait3A_21] : memref<10240x16xf32, #tpu.memory_space<hbm>> -> memref<10240x16xf32, #tpu.memory_space<hbm>>
      tpu.wait_indirect_dma semaphore(%arg10 : memref<!tpu.dma_semaphore, #tpu.memory_space<semaphore_mem>>) src(%dma_wait3A_22 : memref<10240x16xf32, #tpu.memory_space<hbm>>) dst(%arg8 : memref<128x16xf32, #tpu.memory_space<vmem>>)
      "tpu.region"() ({
        %run_scoped3A = tpu.sem_alloc : memref<!tpu.dma_semaphore, #tpu.memory_space<semaphore_mem>>
        %dma_start3A_23 = arith.constant 0 : i32
        %dma_start3A_24 = tpu.memref_slice %arg7[%add3A_12, %dma_start3A_23] : memref<80x128xi32, #tpu.memory_space<vmem>> -> memref<1x128xi32, #tpu.memory_space<vmem>>
        %dma_start3A_25 = tpu.memref_squeeze %dma_start3A_24 : memref<1x128xi32, #tpu.memory_space<vmem>> -> memref<128xi32, #tpu.memory_space<vmem>>
        %dma_start3A_26 = arith.constant 0 : i32
        %dma_start3A_27 = arith.constant 0 : i32
        %dma_start3A_28 = tpu.memref_slice %arg9[%dma_start3A_26, %dma_start3A_27] : memref<10240x16xf32, #tpu.memory_space<vmem_shared>> -> memref<10240x16xf32, #tpu.memory_space<vmem_shared>>
        tpu.enqueue_indirect_dma source(%arg8 : memref<128x16xf32, #tpu.memory_space<vmem>>) target(%dma_start3A_28 : memref<10240x16xf32, #tpu.memory_space<vmem_shared>>) offsets(%dma_start3A_25 : memref<128xi32, #tpu.memory_space<vmem>>) semaphore(%run_scoped3A : memref<!tpu.dma_semaphore, #tpu.memory_space<semaphore_mem>>) {add = true}
        %dma_wait3A_29 = arith.constant 0 : i32
        %dma_wait3A_30 = tpu.memref_slice %arg7[%add3A_12, %dma_wait3A_29] : memref<80x128xi32, #tpu.memory_space<vmem>> -> memref<1x128xi32, #tpu.memory_space<vmem>>
        %dma_wait3A_31 = tpu.memref_squeeze %dma_wait3A_30 : memref<1x128xi32, #tpu.memory_space<vmem>> -> memref<128xi32, #tpu.memory_space<vmem>>
        %dma_wait3A_32 = arith.constant 0 : i32
        %dma_wait3A_33 = arith.constant 0 : i32
        %dma_wait3A_34 = tpu.memref_slice %arg9[%dma_wait3A_32, %dma_wait3A_33] : memref<10240x16xf32, #tpu.memory_space<vmem_shared>> -> memref<10240x16xf32, #tpu.memory_space<vmem_shared>>
        tpu.wait_indirect_dma semaphore(%run_scoped3A : memref<!tpu.dma_semaphore, #tpu.memory_space<semaphore_mem>>) src(%arg8 : memref<128x16xf32, #tpu.memory_space<vmem>>) dst(%dma_wait3A_34 : memref<10240x16xf32, #tpu.memory_space<vmem_shared>>)
        tpu.yield
      }) : () -> ()
    }
    %scan3A_6 = arith.constant 80 : i32
    %barrier3A_7 = arith.constant 0 : index
    tpu.barrier barrier_id(%barrier3A_7)
    "tpu.region"() ({
      %run_scoped3A = tpu.sem_alloc : memref<!tpu.dma_semaphore, #tpu.memory_space<semaphore_mem>>
      %dma_start3A = arith.constant 0 : i32
      %dma_start3A_8 = tpu.memref_slice %arg5[%arg0, %mul3A_2, %dma_start3A] : memref<2x10240x16xf32, #tpu.memory_space<hbm>> -> memref<1x640x16xf32, #tpu.memory_space<hbm>>
      %dma_start3A_9 = tpu.memref_squeeze %dma_start3A_8 : memref<1x640x16xf32, #tpu.memory_space<hbm>> -> memref<640x16xf32, #tpu.memory_space<hbm>>
      %dma_start3A_10 = arith.constant 0 : i32
      %dma_start3A_11 = tpu.memref_slice %arg9[%mul3A_2, %dma_start3A_10] : memref<10240x16xf32, #tpu.memory_space<vmem_shared>> -> memref<640x16xf32, #tpu.memory_space<vmem_shared>>
      tpu.enqueue_dma source(%dma_start3A_11 : memref<640x16xf32, #tpu.memory_space<vmem_shared>>) target(%dma_start3A_9 : memref<640x16xf32, #tpu.memory_space<hbm>>) target_semaphore(%run_scoped3A : memref<!tpu.dma_semaphore, #tpu.memory_space<semaphore_mem>>)
      %dma_wait3A = arith.constant 0 : i32
      %dma_wait3A_12 = tpu.memref_slice %arg5[%arg0, %mul3A_2, %dma_wait3A] : memref<2x10240x16xf32, #tpu.memory_space<hbm>> -> memref<1x640x16xf32, #tpu.memory_space<hbm>>
      %dma_wait3A_13 = tpu.memref_squeeze %dma_wait3A_12 : memref<1x640x16xf32, #tpu.memory_space<hbm>> -> memref<640x16xf32, #tpu.memory_space<hbm>>
      %dma_wait3A_14 = arith.constant 0 : i32
      %dma_wait3A_15 = tpu.memref_slice %arg9[%mul3A_2, %dma_wait3A_14] : memref<10240x16xf32, #tpu.memory_space<vmem_shared>> -> memref<640x16xf32, #tpu.memory_space<vmem_shared>>
      tpu.wait_dma2 semaphore(%run_scoped3A : memref<!tpu.dma_semaphore, #tpu.memory_space<semaphore_mem>>) src(%dma_wait3A_15 : memref<640x16xf32, #tpu.memory_space<vmem_shared>>) dst(%dma_wait3A_13 : memref<640x16xf32, #tpu.memory_space<hbm>>)
      tpu.yield
    }) : () -> ()
    return
  }
}

module attributes {stable_mosaic.version = 14 : i64} {
  func.func @body(%arg0: i32, %arg1: memref<1024x128xf32, #tpu.memory_space<vmem>>, %arg2: memref<128x16xf32, #tpu.memory_space<vmem>>, %arg3: memref<2x1024x1xf32, #tpu.memory_space<vmem>>, %arg4: memref<1024x16xf32, #tpu.memory_space<vmem>>, %arg5: memref<1024x1xf32, #tpu.memory_space<vmem>>) attributes {dimension_semantics = [#tpu.dimension_semantics<arbitrary>], iteration_bounds = array<i64: 10>, scalar_prefetch = 0 : i64, scratch_operands = 0 : i64, tpu.core_type = #tpu.core_type<tc>, window_params = [{transform_indices = @transform_0, window_bounds = array<i64: 1024, 128>}, {pipeline_mode = #tpu.pipeline_mode<synchronous>, transform_indices = @transform_1, window_bounds = array<i64: 128, 16>}, {transform_indices = @transform_2, window_bounds = array<i64: 2, 1024, 1>}, {transform_indices = @transform_3, window_bounds = array<i64: 1024, 16>}, {transform_indices = @transform_4, window_bounds = array<i64: 1024, 1>}]} {
    %get3A = arith.constant 0 : index
    %get3A_0 = arith.constant 0 : index
    %get3A_1 = arith.constant 0 : index
    %get3A_2 = vector.load %arg3[%get3A, %get3A_0, %get3A_1] : memref<2x1024x1xf32, #tpu.memory_space<vmem>>, vector<1x1024x1xf32>
    %get3A_3 = vector.shape_cast %get3A_2 : vector<1x1024x1xf32> to vector<1024x1xf32>
    %get3A_4 = arith.constant 1 : index
    %get3A_5 = arith.constant 0 : index
    %get3A_6 = arith.constant 0 : index
    %get3A_7 = vector.load %arg3[%get3A_4, %get3A_5, %get3A_6] : memref<2x1024x1xf32, #tpu.memory_space<vmem>>, vector<1x1024x1xf32>
    %get3A_8 = vector.shape_cast %get3A_7 : vector<1x1024x1xf32> to vector<1024x1xf32>
    %add3A = arith.addf %get3A_3, %get3A_8 : vector<1024x1xf32>
    %add3A_9 = arith.constant 1.000000e+00 : f32
    %add3A_10 = vector.broadcast %add3A_9 : f32 to vector<1024x1xf32>
    %add3A_11 = arith.addf %add3A, %add3A_10 : vector<1024x1xf32>
    %rsqrt3A = math.rsqrt %add3A_11 : vector<1024x1xf32>
    %get3A_12 = arith.constant 0 : index
    %get3A_13 = arith.constant 0 : index
    %get3A_14 = vector.load %arg1[%get3A_12, %get3A_13] : memref<1024x128xf32, #tpu.memory_space<vmem>>, vector<1024x128xf32>
    %get3A_15 = arith.constant 0 : index
    %get3A_16 = arith.constant 0 : index
    %get3A_17 = vector.load %arg2[%get3A_15, %get3A_16] : memref<128x16xf32, #tpu.memory_space<vmem>>, vector<128x16xf32>
    %dot_general3A = arith.constant dense<0.000000e+00> : vector<1024x16xf32>
    %dot_general3A_18 = tpu.matmul %get3A_14, %get3A_17, %dot_general3A {dimension_numbers = #tpu.dot_dimension_numbers<[1], [0], [0], [1], [0, 0, 1, 1], [], []>, transpose_lhs_hint = false} : vector<1024x128xf32>, vector<128x16xf32>, vector<1024x16xf32> -> vector<1024x16xf32>
    %mul3A = vector.broadcast %rsqrt3A : vector<1024x1xf32> to vector<1024x16xf32>
    %mul3A_19 = arith.mulf %dot_general3A_18, %mul3A : vector<1024x16xf32>
    %swap3A = arith.constant 0 : index
    %swap3A_20 = arith.constant 0 : index
    %swap3A_21 = vector.load %arg4[%swap3A, %swap3A_20] : memref<1024x16xf32, #tpu.memory_space<vmem>>, vector<1024x16xf32>
    tpu.vector_store %arg4[%swap3A, %swap3A_20], %mul3A_19 {strides = array<i32>} : memref<1024x16xf32, #tpu.memory_space<vmem>>, vector<1024x16xf32>,
    %swap3A_22 = arith.constant 0 : index
    %swap3A_23 = arith.constant 0 : index
    %swap3A_24 = vector.load %arg5[%swap3A_22, %swap3A_23] : memref<1024x1xf32, #tpu.memory_space<vmem>>, vector<1024x1xf32>
    tpu.vector_store %arg5[%swap3A_22, %swap3A_23], %rsqrt3A {strides = array<i32>} : memref<1024x1xf32, #tpu.memory_space<vmem>>, vector<1024x1xf32>,
    return
  }
  func.func @transform_0(%arg0: i32) -> (i32, i32) {
    %c0_i32 = arith.constant 0 : i32
    %c0_i32_0 = arith.constant 0 : i32
    return %arg0, %c0_i32 : i32, i32
  }
  func.func @transform_1(%arg0: i32) -> (i32, i32) {
    %c0_i32 = arith.constant 0 : i32
    %c0_i32_0 = arith.constant 0 : i32
    %c0_i32_1 = arith.constant 0 : i32
    return %c0_i32, %c0_i32_0 : i32, i32
  }
  func.func @transform_2(%arg0: i32) -> (i32, i32, i32) {
    %c0_i32 = arith.constant 0 : i32
    %c0_i32_0 = arith.constant 0 : i32
    %c0_i32_1 = arith.constant 0 : i32
    return %c0_i32, %arg0, %c0_i32_0 : i32, i32, i32
  }
  func.func @transform_3(%arg0: i32) -> (i32, i32) {
    %c0_i32 = arith.constant 0 : i32
    %c0_i32_0 = arith.constant 0 : i32
    return %arg0, %c0_i32 : i32, i32
  }
  func.func @transform_4(%arg0: i32) -> (i32, i32) {
    %c0_i32 = arith.constant 0 : i32
    %c0_i32_0 = arith.constant 0 : i32
    return %arg0, %c0_i32 : i32, i32
  }
}

module attributes {stable_mosaic.version = 14 : i64} {
  func.func @body(%arg0: i32, %arg1: memref<2x1024x16xf32, #tpu.memory_space<vmem>>, %arg2: memref<1024x16xf32, #tpu.memory_space<vmem>>, %arg3: memref<1024x1xf32, #tpu.memory_space<vmem>>, %arg4: memref<1x16xf32, #tpu.memory_space<vmem>>, %arg5: memref<16x40xf32, #tpu.memory_space<vmem>>, %arg6: memref<1024x40xf32, #tpu.memory_space<vmem>>) attributes {dimension_semantics = [#tpu.dimension_semantics<arbitrary>], iteration_bounds = array<i64: 10>, scalar_prefetch = 0 : i64, scratch_operands = 0 : i64, tpu.core_type = #tpu.core_type<tc>, window_params = [{transform_indices = @transform_0, window_bounds = array<i64: 2, 1024, 16>}, {transform_indices = @transform_1, window_bounds = array<i64: 1024, 16>}, {transform_indices = @transform_2, window_bounds = array<i64: 1024, 1>}, {pipeline_mode = #tpu.pipeline_mode<synchronous>, transform_indices = @transform_3, window_bounds = array<i64: 1, 16>}, {pipeline_mode = #tpu.pipeline_mode<synchronous>, transform_indices = @transform_4, window_bounds = array<i64: 16, 40>}, {transform_indices = @transform_5, window_bounds = array<i64: 1024, 40>}]} {
    %get3A = arith.constant 0 : index
    %get3A_0 = arith.constant 0 : index
    %get3A_1 = arith.constant 0 : index
    %get3A_2 = vector.load %arg1[%get3A, %get3A_0, %get3A_1] : memref<2x1024x16xf32, #tpu.memory_space<vmem>>, vector<1x1024x16xf32>
    %get3A_3 = vector.shape_cast %get3A_2 : vector<1x1024x16xf32> to vector<1024x16xf32>
    %get3A_4 = arith.constant 1 : index
    %get3A_5 = arith.constant 0 : index
    %get3A_6 = arith.constant 0 : index
    %get3A_7 = vector.load %arg1[%get3A_4, %get3A_5, %get3A_6] : memref<2x1024x16xf32, #tpu.memory_space<vmem>>, vector<1x1024x16xf32>
    %get3A_8 = vector.shape_cast %get3A_7 : vector<1x1024x16xf32> to vector<1024x16xf32>
    %add3A = arith.addf %get3A_3, %get3A_8 : vector<1024x16xf32>
    %get3A_9 = arith.constant 0 : index
    %get3A_10 = arith.constant 0 : index
    %get3A_11 = vector.load %arg2[%get3A_9, %get3A_10] : memref<1024x16xf32, #tpu.memory_space<vmem>>, vector<1024x16xf32>
    %sub3A = arith.subf %add3A, %get3A_11 : vector<1024x16xf32>
    %get3A_12 = arith.constant 0 : index
    %get3A_13 = arith.constant 0 : index
    %get3A_14 = vector.load %arg3[%get3A_12, %get3A_13] : memref<1024x1xf32, #tpu.memory_space<vmem>>, vector<1024x1xf32>
    %mul3A = vector.broadcast %get3A_14 : vector<1024x1xf32> to vector<1024x16xf32>
    %mul3A_15 = arith.mulf %sub3A, %mul3A : vector<1024x16xf32>
    %get3A_16 = arith.constant 0 : index
    %get3A_17 = arith.constant 0 : index
    %get3A_18 = vector.load %arg4[%get3A_16, %get3A_17] : memref<1x16xf32, #tpu.memory_space<vmem>>, vector<1x16xf32>
    %add3A_19 = vector.broadcast %get3A_18 : vector<1x16xf32> to vector<1024x16xf32>
    %add3A_20 = arith.addf %mul3A_15, %add3A_19 : vector<1024x16xf32>
    %max3A = arith.constant 0.000000e+00 : f32
    %max3A_21 = vector.broadcast %max3A : f32 to vector<1024x16xf32>
    %max3A_22 = arith.maximumf %add3A_20, %max3A_21 : vector<1024x16xf32>
    %get3A_23 = arith.constant 0 : index
    %get3A_24 = arith.constant 0 : index
    %get3A_25 = vector.load %arg5[%get3A_23, %get3A_24] : memref<16x40xf32, #tpu.memory_space<vmem>>, vector<16x40xf32>
    %dot_general3A = arith.constant dense<0.000000e+00> : vector<1024x40xf32>
    %dot_general3A_26 = tpu.matmul %max3A_22, %get3A_25, %dot_general3A {dimension_numbers = #tpu.dot_dimension_numbers<[1], [0], [0], [1], [0, 0, 1, 1], [], []>, transpose_lhs_hint = false} : vector<1024x16xf32>, vector<16x40xf32>, vector<1024x40xf32> -> vector<1024x40xf32>
    %get3A_27 = arith.constant 0 : index
    %get3A_28 = arith.constant 0 : index
    %get3A_29 = vector.load %arg3[%get3A_27, %get3A_28] : memref<1024x1xf32, #tpu.memory_space<vmem>>, vector<1024x1xf32>
    %mul3A_30 = vector.broadcast %get3A_29 : vector<1024x1xf32> to vector<1024x40xf32>
    %mul3A_31 = arith.mulf %dot_general3A_26, %mul3A_30 : vector<1024x40xf32>
    %swap3A = arith.constant 0 : index
    %swap3A_32 = arith.constant 0 : index
    %swap3A_33 = vector.load %arg6[%swap3A, %swap3A_32] : memref<1024x40xf32, #tpu.memory_space<vmem>>, vector<1024x40xf32>
    tpu.vector_store %arg6[%swap3A, %swap3A_32], %mul3A_31 {strides = array<i32>} : memref<1024x40xf32, #tpu.memory_space<vmem>>, vector<1024x40xf32>,
    return
  }
  func.func @transform_0(%arg0: i32) -> (i32, i32, i32) {
    %c0_i32 = arith.constant 0 : i32
    %c0_i32_0 = arith.constant 0 : i32
    %c0_i32_1 = arith.constant 0 : i32
    return %c0_i32, %arg0, %c0_i32_0 : i32, i32, i32
  }
  func.func @transform_1(%arg0: i32) -> (i32, i32) {
    %c0_i32 = arith.constant 0 : i32
    %c0_i32_0 = arith.constant 0 : i32
    return %arg0, %c0_i32 : i32, i32
  }
  func.func @transform_2(%arg0: i32) -> (i32, i32) {
    %c0_i32 = arith.constant 0 : i32
    %c0_i32_0 = arith.constant 0 : i32
    return %arg0, %c0_i32 : i32, i32
  }
  func.func @transform_3(%arg0: i32) -> (i32, i32) {
    %c0_i32 = arith.constant 0 : i32
    %c0_i32_0 = arith.constant 0 : i32
    %c0_i32_1 = arith.constant 0 : i32
    return %c0_i32, %c0_i32_0 : i32, i32
  }
  func.func @transform_4(%arg0: i32) -> (i32, i32) {
    %c0_i32 = arith.constant 0 : i32
    %c0_i32_0 = arith.constant 0 : i32
    %c0_i32_1 = arith.constant 0 : i32
    return %c0_i32, %c0_i32_0 : i32, i32
  }
  func.func @transform_5(%arg0: i32) -> (i32, i32) {
    %c0_i32 = arith.constant 0 : i32
    %c0_i32_0 = arith.constant 0 : i32
    return %arg0, %c0_i32 : i32, i32
  }
}

module attributes {stable_mosaic.version = 14 : i64} {
  func.func @body(%arg0: i32, %arg1: memref<2x1000x40xf32, #tpu.memory_space<vmem>>, %arg2: memref<1000x40xf32, #tpu.memory_space<vmem>>, %arg3: memref<1000x1xf32, #tpu.memory_space<vmem>>, %arg4: memref<1x40xf32, #tpu.memory_space<vmem>>, %arg5: memref<1000x40xf32, #tpu.memory_space<vmem>>) attributes {dimension_semantics = [#tpu.dimension_semantics<arbitrary>], iteration_bounds = array<i64: 10>, scalar_prefetch = 0 : i64, scratch_operands = 0 : i64, tpu.core_type = #tpu.core_type<tc>, window_params = [{transform_indices = @transform_0, window_bounds = array<i64: 2, 1000, 40>}, {transform_indices = @transform_1, window_bounds = array<i64: 1000, 40>}, {transform_indices = @transform_2, window_bounds = array<i64: 1000, 1>}, {pipeline_mode = #tpu.pipeline_mode<synchronous>, transform_indices = @transform_3, window_bounds = array<i64: 1, 40>}, {transform_indices = @transform_4, window_bounds = array<i64: 1000, 40>}]} {
    %get3A = arith.constant 0 : index
    %get3A_0 = arith.constant 0 : index
    %get3A_1 = arith.constant 0 : index
    %get3A_2 = vector.load %arg1[%get3A, %get3A_0, %get3A_1] : memref<2x1000x40xf32, #tpu.memory_space<vmem>>, vector<1x1000x40xf32>
    %get3A_3 = vector.shape_cast %get3A_2 : vector<1x1000x40xf32> to vector<1000x40xf32>
    %get3A_4 = arith.constant 1 : index
    %get3A_5 = arith.constant 0 : index
    %get3A_6 = arith.constant 0 : index
    %get3A_7 = vector.load %arg1[%get3A_4, %get3A_5, %get3A_6] : memref<2x1000x40xf32, #tpu.memory_space<vmem>>, vector<1x1000x40xf32>
    %get3A_8 = vector.shape_cast %get3A_7 : vector<1x1000x40xf32> to vector<1000x40xf32>
    %add3A = arith.addf %get3A_3, %get3A_8 : vector<1000x40xf32>
    %get3A_9 = arith.constant 0 : index
    %get3A_10 = arith.constant 0 : index
    %get3A_11 = vector.load %arg2[%get3A_9, %get3A_10] : memref<1000x40xf32, #tpu.memory_space<vmem>>, vector<1000x40xf32>
    %sub3A = arith.subf %add3A, %get3A_11 : vector<1000x40xf32>
    %get3A_12 = arith.constant 0 : index
    %get3A_13 = arith.constant 0 : index
    %get3A_14 = vector.load %arg3[%get3A_12, %get3A_13] : memref<1000x1xf32, #tpu.memory_space<vmem>>, vector<1000x1xf32>
    %mul3A = vector.broadcast %get3A_14 : vector<1000x1xf32> to vector<1000x40xf32>
    %mul3A_15 = arith.mulf %sub3A, %mul3A : vector<1000x40xf32>
    %get3A_16 = arith.constant 0 : index
    %get3A_17 = arith.constant 0 : index
    %get3A_18 = vector.load %arg4[%get3A_16, %get3A_17] : memref<1x40xf32, #tpu.memory_space<vmem>>, vector<1x40xf32>
    %add3A_19 = vector.broadcast %get3A_18 : vector<1x40xf32> to vector<1000x40xf32>
    %add3A_20 = arith.addf %mul3A_15, %add3A_19 : vector<1000x40xf32>
    %reduce_max3A = arith.constant dense<0xFF800000> : vector<1000xf32>
    %reduce_max3A_21 = vector.multi_reduction <maximumf>, %add3A_20, %reduce_max3A [1] : vector<1000x40xf32> to vector<1000xf32>
    %broadcast_in_dim3A = vector.shape_cast %reduce_max3A_21 : vector<1000xf32> to vector<1000x1xf32>
    %sub3A_22 = vector.broadcast %broadcast_in_dim3A : vector<1000x1xf32> to vector<1000x40xf32>
    %sub3A_23 = arith.subf %add3A_20, %sub3A_22 : vector<1000x40xf32>
    %exp3A = math.exp %sub3A_23 : vector<1000x40xf32>
    %reduce_sum3A = arith.constant dense<0.000000e+00> : vector<1000xf32>
    %reduce_sum3A_24 = vector.multi_reduction <add>, %exp3A, %reduce_sum3A [1] : vector<1000x40xf32> to vector<1000xf32>
    %broadcast_in_dim3A_25 = vector.shape_cast %reduce_sum3A_24 : vector<1000xf32> to vector<1000x1xf32>
    %log3A = math.log %broadcast_in_dim3A_25 : vector<1000x1xf32>
    %add3A_26 = arith.addf %log3A, %broadcast_in_dim3A : vector<1000x1xf32>
    %sub3A_27 = vector.broadcast %add3A_26 : vector<1000x1xf32> to vector<1000x40xf32>
    %sub3A_28 = arith.subf %add3A_20, %sub3A_27 : vector<1000x40xf32>
    %swap3A = arith.constant 0 : index
    %swap3A_29 = arith.constant 0 : index
    %swap3A_30 = vector.load %arg5[%swap3A, %swap3A_29] : memref<1000x40xf32, #tpu.memory_space<vmem>>, vector<1000x40xf32>
    tpu.vector_store %arg5[%swap3A, %swap3A_29], %sub3A_28 {strides = array<i32>} : memref<1000x40xf32, #tpu.memory_space<vmem>>, vector<1000x40xf32>,
    return
  }
  func.func @transform_0(%arg0: i32) -> (i32, i32, i32) {
    %c0_i32 = arith.constant 0 : i32
    %c0_i32_0 = arith.constant 0 : i32
    %c0_i32_1 = arith.constant 0 : i32
    return %c0_i32, %arg0, %c0_i32_0 : i32, i32, i32
  }
  func.func @transform_1(%arg0: i32) -> (i32, i32) {
    %c0_i32 = arith.constant 0 : i32
    %c0_i32_0 = arith.constant 0 : i32
    return %arg0, %c0_i32 : i32, i32
  }
  func.func @transform_2(%arg0: i32) -> (i32, i32) {
    %c0_i32 = arith.constant 0 : i32
    %c0_i32_0 = arith.constant 0 : i32
    return %arg0, %c0_i32 : i32, i32
  }
  func.func @transform_3(%arg0: i32) -> (i32, i32) {
    %c0_i32 = arith.constant 0 : i32
    %c0_i32_0 = arith.constant 0 : i32
    %c0_i32_1 = arith.constant 0 : i32
    return %c0_i32, %c0_i32_0 : i32, i32
  }
  func.func @transform_4(%arg0: i32) -> (i32, i32) {
    %c0_i32 = arith.constant 0 : i32
    %c0_i32_0 = arith.constant 0 : i32
    return %arg0, %c0_i32 : i32, i32
  }
}

</mosaic_0001>

<sc_bundles>
// kernel: kernel.11.cloned.1.call-start
scs
__scs_entry_jumppad:
0x0: {  	(pc) =	sbr.rel $0x88, $3  }
0x1: {  	(tag) =	ssettag $0x0;
	lr =	simm.s32 $0x1  }
0x2: {  	[smem:$0x3F9B] =	sst lr;
	_ =	strace $0xD0000000  }
0x3: {  	_ = 	snop  }
0x4: {  	_ = 	snop  }
0x5: {  	_ = 	snop  }
0x6: {  	_ = 	snop  }
0x7: {  	_ = 	snop  }
__scs_overlays_trampoline_lowered:
0x8: {  	[smem:$0x3FAA] =	sst s0  }
0x9: {  	[smem:$0x3FAB] =	sst s1  }
0xa: {  	[smem:$0x3FAC] =	sst s2  }
0xb: {  	[smem:$0x3FAD] =	sst s3  }
0xc: {  	[smem:$0x3FAE] =	sst s4  }
0xd: {  	[smem:$0x3FAF] =	sst s5  }
0xe: {  	[smem:$0x3FB0] =	sst s6  }
0xf: {  	[smem:$0x3FB1] =	sst s7  }
0x10: {  	[smem:$0x3FB2] =	sst s8  }
0x11: {  	[smem:$0x3FB3] =	sst s9;
	s0 =	simm.s32 @!p0 $0x0  }
0x12: {  	s1 =	sld [smem:$0x3F99];
	s0 =	simm.s32 @p0 $0x1  }
0x13: {  	[smem:$0x3FB4] =	sst s0;
	s0 =	simm.s32 @!p1 $0x0  }
0x14: {  	s2 =	sld [smem:$0x3F98];
	s0 =	simm.s32 @p1 $0x1  }
0x15: {  	[smem:$0x3FB5] =	sst s0;
	s0 =	simm.s32 @!p2 $0x0  }
0x16: {  	s3 =	sld [smem:$0x3FDB];
	s0 =	simm.s32 @p2 $0x1  }
0x17: {  	s4 =	simm.s32 $0x1BF5;
	[smem:$0x3FB7] =	sst s0  }
0x18: {  	s0 =	sld [smem:$0x3F9A];
	_ =	swait.ge [sflag:s4], $0x0  }
0x19: {  	s7 =	sld [smem:$0x3F9B]  }
0x1a: {  	s8 =	sadd.s32 $0xFFFFE003, lr  }
0x1b: {  	s9 =	sadd.s32 $0xFFFFFEF7, lr;
	s5 =	simm.s32 $0xFFFFFFFF;
	p2 =	slt.u32 s8, $0xFFFFF086  }
0x1c: {  	p1 =	slt.u32 s9, $0xF7A;
	s5 =	simm.s32 @!p2 $0x0  }
0x1d: {  	s5 =	simm.s32 @p1 $0x1;
	p0 =	seq.s32 s7, s2  }
0x1e: {  	s7 =	smul.u32 @!p0 $0xF7A, s2;
	p2 =	seq.s32 @!p0 s5, $0x0  }
0x1f: {  	s9 =	smul.u32 $0xF7A, s1;
	s8 =	simm.s32 @!p0 $0x1BF5;
	p2 =	por !p2, p0  }
0x20: {  	[sflag:s8] =	ssyncset.s32 @!p0 $0xFFFFF086;
	s6 =	sadd.s32 @!p0 s3, s7;
	s7 =	simm.s32 @!p0 $0x108  }
0x21: {  	s3 =	sadd.s32 s3, s9;
	s6 =	sadd.s32 @!p0 $0x88, s6;
	s7 =	simm.s32 @p2 $0x1082  }
0x22: {  	[simem:s7], [sflag:s8] =	dma.local @!p0 [hbm:s6], $0xF7A  }
0x23: {  	s9 =	sor.u32 $0xD0000000, s2;
	s6 =	simm.s32 $0x108;
	_ =	swait.ge @!p0 [sflag:s8], $0x0  }
0x24: {  	s3 =	sadd.s32 $0x88, s3;
	s6 =	simm.s32 @!p1 $0x1082;
	[sflag:s4] =	ssyncset.s32 $0xFFFFF086  }
0x25: {  	[simem:s6], [sflag:s4] =	dma.local [hbm:s3], $0xF7A  }
0x26: {  	[smem:$0x3F9B] =	sst s1;
	(tag) =	ssettag s2;
	_ =	strace s9  }
0x27: {  	s1 =	sld [smem:$0x3FAB]  }
0x28: {  	s2 =	sld [smem:$0x3FAC]  }
0x29: {  	s4 =	sld [smem:$0x3FAE]  }
0x2a: {  	p0 =	seq.s32 s5, $0x0;
	s5 =	sld [smem:$0x3FAF]  }
0x2b: {  	s6 =	sld [smem:$0x3FB0]  }
0x2c: {  	s7 =	sld [smem:$0x3FB1]  }
0x2d: {  	s3 =	simm.s32 $0x108;
	s8 =	sld [smem:$0x3FB2]  }
0x2e: {  	s3 =	simm.s32 @!p0 $0x1082;
	s9 =	sld [smem:$0x3FB3]  }
0x2f: {  	lr =	sadd.s32 s0, s3;
	s0 =	sld [smem:$0x3FAA]  }
0x30: {  	s3 =	sld [smem:$0x3FAD]  }
0x31: {  	[smem:$0x3FB6] =	sst s10  }
0x32: {  	s10 =	sld [smem:$0x3FB4];
	_ =	sdelay $0x3  }
0x33: {  	p0 =	seq.s32 s10, $0x1;
	s10 =	sld [smem:$0x3FB6];
	_ =	sdelay $0x3  }
0x34: {  	[smem:$0x3FB6] =	sst s10  }
0x35: {  	s10 =	sld [smem:$0x3FB5];
	_ =	sdelay $0x3  }
0x36: {  	p1 =	seq.s32 s10, $0x1;
	s10 =	sld [smem:$0x3FB6];
	_ =	sdelay $0x3  }
0x37: {  	[smem:$0x3FB6] =	sst s10  }
0x38: {  	s10 =	sld [smem:$0x3FB7]  }
0x39: {  	_ = 	snop;
	(pc) =	sbr.ind lr, $3  }
0x3a: {  	_ = 	snop  }
0x3b: {  	_ = 	snop  }
0x3c: {  	p2 =	seq.s32 s10, $0x1;
	s10 =	sld [smem:$0x3FB6]  }
0x3d: {  	_ =	shalt  }
0x3e: {  	_ =	shalt  }
0x3f: {  	_ =	shalt  }
0x40: {  	_ =	shalt  }
0x41: {  	_ =	shalt  }
0x42: {  	_ =	shalt  }
0x43: {  	_ =	shalt  }
0x44: {  	_ =	shalt  }
0x45: {  	_ =	shalt  }
0x46: {  	_ =	shalt  }
0x47: {  	_ =	shalt  }
0x48: {  	_ =	shalt  }
0x49: {  	_ =	shalt  }
0x4a: {  	_ =	shalt  }
0x4b: {  	_ =	shalt  }
0x4c: {  	_ =	shalt  }
0x4d: {  	_ =	shalt  }
0x4e: {  	_ =	shalt  }
0x4f: {  	_ =	shalt  }
0x50: {  	_ =	shalt  }
0x51: {  	_ =	shalt  }
0x52: {  	_ =	shalt  }
0x53: {  	_ =	shalt  }
0x54: {  	_ =	shalt  }
0x55: {  	_ =	shalt  }
0x56: {  	_ =	shalt  }
0x57: {  	_ =	shalt  }
0x58: {  	_ =	shalt  }
0x59: {  	_ =	shalt  }
0x5a: {  	_ =	shalt  }
0x5b: {  	_ =	shalt  }
0x5c: {  	_ =	shalt  }
0x5d: {  	_ =	shalt  }
0x5e: {  	_ =	shalt  }
0x5f: {  	_ =	shalt  }
0x60: {  	_ =	shalt  }
0x61: {  	_ =	shalt  }
0x62: {  	_ =	shalt  }
0x63: {  	_ =	shalt  }
0x64: {  	_ =	shalt  }
0x65: {  	_ =	shalt  }
0x66: {  	_ =	shalt  }
0x67: {  	_ =	shalt  }
0x68: {  	_ =	shalt  }
0x69: {  	_ =	shalt  }
0x6a: {  	_ =	shalt  }
0x6b: {  	_ =	shalt  }
0x6c: {  	_ =	shalt  }
0x6d: {  	_ =	shalt  }
0x6e: {  	_ =	shalt  }
0x6f: {  	_ =	shalt  }
0x70: {  	_ =	shalt  }
0x71: {  	_ =	shalt  }
0x72: {  	_ =	shalt  }
0x73: {  	_ =	shalt  }
0x74: {  	_ =	shalt  }
0x75: {  	_ =	shalt  }
0x76: {  	_ =	shalt  }
0x77: {  	_ =	shalt  }
0x78: {  	_ =	shalt  }
0x79: {  	_ =	shalt  }
0x7a: {  	_ =	shalt  }
0x7b: {  	_ =	shalt  }
0x7c: {  	_ =	shalt  }
0x7d: {  	_ =	shalt  }
0x7e: {  	_ =	shalt  }
0x7f: {  	_ =	shalt  }
0x80: {  	_ =	shalt  }
0x81: {  	_ =	shalt  }
0x82: {  	_ =	shalt  }
0x83: {  	_ =	shalt  }
0x84: {  	_ =	shalt  }
0x85: {  	_ =	shalt  }
0x86: {  	_ =	shalt  }
0x87: {  	_ =	shalt  }
.Lfunc_end0:
.L_simem_size_0:
called_computation.1_lowered:
.L_overlay_start_0:
0x88: {  	s2 =	sld [smem:$0x3FD9]  }
0x89: {  	s3 =	sld [smem:$0x3FFE];
	_ =	sdelay $0x1  }
0x8a: {  	s1 =	srdreg.scid  }
0x8b: {  	s0 =	sand.u32 $0x1, s1  }
0x8c: {  	s17 =	sshll.u32 s0, $0xA;
	s2 =	sadd.s32 s3, s2  }
0x8d: {  	s2 =	sadd.s32 s2, s17  }
0x8e: {  	[smem:$0x3FC2] =	sst s2  }
0x8f: {  	_ = 	snop  }
0x90: {  	s2 =	sld [smem:$0x3FD0];
	(tm) =	ssettm $0x1  }
0x91: {  	s18 =	sld [smem:$0x3FFB];
	_ =	sdelay $0x3  }
0x92: {  	_ =	strace s18  }
0x93: {  	s3 =	sld [smem:$0x3FFC];
	_ =	sdelay $0x3  }
0x94: {  	_ =	strace s3  }
0x95: {  	s3 =	sld [smem:$0x3FFD];
	_ =	sdelay $0x3  }
0x96: {  	_ =	strace s3  }
0x97: {  	_ =	strace $0x8FFFFFFF  }
0x98: {  	s19 =	sld [smem:$0x3FDB];
	_ =	sdelay $0x1  }
0x99: {  	s4 =	simm.s32 $_scs_section_size  }
0x9a: {  	s5 =	simm.s32 $_size__tile_overlayer_lowered;
	s6 =	simm.s32 $_tile_overlayer_lowered  }
0x9b: {  	s22 =	simm.s32 $0x1BFF;
	s21 =	sshll.u32 s6, $0x1;
	s3 =	sadd.s32 s4, s19  }
0x9c: {  	s7 =	simm.s32 $0x0;
	s20 =	sshll.u32 s5, $0x1;
	s5 =	sadd.s32 s21, s3  }
0x9d: {  	[timem:s7], [sflag:s22] =	dma.local [hbm:s5], s20  }
0x9e: {  	_ =	swait.ge [sflag:s22], s20  }
0x9f: {  	s4 =	ssub.s32 $0x0, s20;
	[sflag:s22] =	ssyncset.done $0x0  }
0xa0: {  	[sflag:s22] =	ssyncadd.s32 s4;
	_ =	sdelay $0x1  }
0xa1: {  	s23 =	simm.s32 $0x1B8B  }
0xa2: {  	_ =	swait.ge [sflag:s23], $0x1  }
0xa3: {  	[sflag:s23] =	ssyncset.done $0x0  }
0xa4: {  	s25 =	simm.s32 $0x1B8E;
	s24 =	sld [smem:$0x3FFE];
	[sflag:s23] =	ssyncadd.s32 $0xFFFFFFFF  }
0xa5: {  	s26 =	simm.s32 $execute0_lowered;
	[smem:$0x3FD2] =	sst s25  }
0xa6: {  	s5 =	sshll.u32 s26, $0x1;
	_ =	strace $0x80000049;
	[dreg:$0x1] =	wrdreg $0xFFFFFFFF  }
0xa7: {  	s28 =	simm.s32 $_size_execute0_lowered;
	s3 =	sadd.s32 s3, s5;
	[dreg:$0x0] =	wrdreg $0x0  }
0xa8: {  	s5 =	sshll.u32 s28, $0x1;
	[dreg:$0x2] =	wrdreg s3  }
0xa9: {  	[dreg:$0x3] =	wrdreg s5  }
0xaa: {  	[dreg:$0x4] =	wrdreg $0xC0  }
0xab: {  	_ =	task [dreg:s7], $0x5FFFF  }
0xac: {  	[dreg:$0x1] =	wrdreg $0xFFFFFFFF  }
0xad: {  	[dreg:$0x0] =	wrdreg $0x60  }
0xae: {  	[dreg:$0x2] =	wrdreg s24  }
0xaf: {  	[dreg:$0x3] =	wrdreg s2  }
0xb0: {  	[dreg:$0x4] =	wrdreg $0x58000  }
0xb1: {  	[dreg:$0x5] =	wrdreg $0x9  }
0xb2: {  	_ =	task.clear_ibuf [dreg:s7], $0x6FFFF;
	_ =	strace $0x90000049  }
0xb3: {  	s29 =	simm.s32 $0x9;
	_ =	strace $0x8000004B  }
0xb4: {  	_ =	swait.ge [sflag:s29], $0x1  }
0xb5: {  	[sflag:s29] =	ssyncadd.s32 $0xFFFFFFFF  }
0xb6: {  	_ =	strace $0x9000004B  }
0xb7: {  	_ =	sfence  }
0xb8: {  	s30 =	sld [smem:$0x0];
	_ =	sdelay $0x2  }
0xb9: {  	s31 =	sshll.u32 s1, $0xD;
	s1 =	sshrl.u32 s1, $0x2  }
0xba: {  	s3 =	sand.u32 $0x4000, s31;
	s1 =	sadd.s32 s1, s30  }
0xbb: {  	s0 =	sor.u32 s3, s0;
	s1 =	sshll.u32 s1, $0x11  }
0xbc: {  	s0 =	sor.u32 s1, s0  }
0xbd: {  	s0 =	sadd.s32 $0x8F2B, s0  }
0xbe: {  	[sflag:s0] =	ssyncadd.remote.s32 $0x1  }
0xbf: {  	_ =	sfence.sel $0xFFFF  }
0xc0: {  	[dreg:$0x0] =	wrdreg $0xFFFFFFFF;
	(pc) =	sbr.abs _section_cstart, $3  }
0xc1: {  	[dreg:$0x1] =	wrdreg $0xFFFFFFFF  }
0xc2: {  	_ =	task.clear_ibuf [dreg:s7], $0x2FFFF;
	_ =	strace $0x9FFFFFFF  }
0xc3: {  	(tm) =	ssettm $0x7FFFFFFF  }
tec
execute0_lowered:
.L_overlay_start_1:
0x0: {  	(tag) =	ssettag $0x1  }
0x1: {  	s5 =	rddreg [dreg:$0x0]  }
0x2: {  	s7 =	rddreg [dreg:$0x1]  }
0x3: {  	s2 =	rddreg [dreg:$0x2]  }
0x4: {  	s0 =	rddreg [dreg:$0x3];
	s3 =	simm.s32 $0x0;
	s4 =	srdreg.scid  }
0x5: {  	s1 =	stileid.u32;
	s14 =	simm.s32 $0x80;
	s15 =	simm.s32 $0x5000  }
0x6: {  	s16 =	simm.s32 $0x1;
	s17 =	simm.s32 $0x0;
	s6 =	sand.u32 $0x1, s4  }
0x7: {  	s29 =	sshll.u32 s1, $0x1;
	s8 =	smul.u32 $0x2800, s1;
	[smem:$0x7FF] =	sst s3  }
0x8: {  	s31 =	sshll.u32 s1, $0x6;
	s4 =	sor.u32 s6, s29;
	s9 =	smul.u32 $0x28000, s6  }
0x9: {  	_ =	strace $0x8000004A;
	s6 =	ssub.s32 $0x2, s6;
	s10 =	smul.u32 $0x500, s4  }
0xa: {  	s4 =	sadd.s32 $0xB800, s5;
	s12 =	sshrl.u32 s6, $0x1;
	s30 =	sshrl.u32 s8, $0x3  }
0xb: {  	s13 =	sadd.s32 s8, s2;
	s9 =	sadd.s32 s8, s9;
	s12 =	ssub.s32 s6, s12  }
0xc: {  	s6 =	sor.u32 $0x1C02, s31;
	s11 =	sadd.s32 s10, s5;
	s9 =	sshrl.u32 s9, $0x3  }
0xd: {  	s7 =	sadd.s32 s7, s10;
	s10 =	smax.u32 s12, $0x1;
	s12 =	simm.s32 $0x2  }
0xe: {  	s9 =	sadd.s32 s9, s5;
	s5 =	sadd.s32 s4, s30;
	s8 =	sadd.s32 $0x1800, s11  }
0xf: {  	s11 =	sshrl.u32 s13, $0x3;
	s13 =	simm.s32 $0x2800;
	s9 =	sadd.s32 $0x10800, s9  }
.LBB2_1:
0x10: {  	[spmem:s11], [sflag:s6] =	dma.local [hbm:s5], $0x500  }
0x11: {  	_ =	swait.ge [sflag:s12], $0x500  }
0x12: {  	[sflag:s12] =	ssyncset.done $0x0  }
0x13: {  	[sflag:s12] =	ssyncadd.s32 $0xFFFFFB00  }
0x14: {  	[tilespmem:s3], [sflag:$0x2] =	stream.linear.gather [hbm4b:s7+s3], $0x2800, $0x38;
	[tilespmem:$0x8000] =	vst v63  }
0x15: {  	_ =	swait.ge [sflag:s12], $0x2800  }
0x16: {  	[sflag:s12] =	ssyncset.done $0x0  }
0x17: {  	[sflag:s12] =	ssyncadd.s32 $0xFFFFD800  }
0x18: {  	[tilespmem:s13], [sflag:$0x2] =	stream.linear.gather [hbm4b:s8+s3], $0x2800, $0x38;
	[tilespmem:$0x8000] =	vst v63  }
0x19: {  	_ =	swait.ge [sflag:s12], $0x2800  }
0x1a: {  	[sflag:s12] =	ssyncset.done $0x0  }
0x1b: {  	[sflag:s12] =	ssyncadd.s32 $0xFFFFD800  }
0x1c: {  	s18 =	simm.s32 $0x0;
	[bflag:$0x0] =	sbarrier.arrive $0xFFFF  }
0x1d: {  	[tilespmem:s15], [sflag:$0x1] =	stream.indirect.gather [hbm4b:s4+s14], $0x10, s18, s14, $0xb8;
	[tilespmem:$0x8000] =	vst v63  }
0x1e: {  	_ =	swait.ge [sflag:s16], $0x800  }
0x1f: {  	[sflag:s16] =	ssyncset.done $0x0  }
0x20: {  	s31 =	simm.s32 $0x2800;
	[sflag:s16] =	ssyncadd.s32 $0xFFFFF800  }
0x21: {  	[spmem:s2] =	stream.indirect.scatter.add.f32 [tilespmem:s15], [sflag:$0x2], $0x10, s31, s14, $0xb8;
	[tilespmem:$0x8000] =	vst v63  }
0x22: {  	_ =	swait.ge [sflag:s12], $0x800  }
0x23: {  	s19 =	simm.s32 $0x400;
	s18 =	simm.s32 $0x200;
	[sflag:s12] =	ssyncset.done $0x0  }
.LBB2_2:
0x24: {  	s20 =	sshra.s32 s18, $0x2  }
0x25: {  	[sflag:s12] =	ssyncadd.s32 $0xFFFFF800;
	s18 =	smov.u32 s19;
	s21 =	sadd.s32 $0x200, s19  }
0x26: {  	[tilespmem:s15], [sflag:$0x1] =	stream.indirect.gather [hbm4b:s4+s14], $0x10, s20, s14, $0xb8;
	[tilespmem:$0x8000] =	vst v63  }
0x27: {  	p0 =	sne.s32 s19, $0x9E00;
	_ =	swait.ge [sflag:s16], $0x800  }
.Ltmp0:
0x28: {  	[sflag:s16] =	ssyncset.done $0x0;
	(pc) =	sbr.rel @p0 .LBB2_2-.Ltmp0, $4  }
0x29: {  	s19 =	sadd.s32 $0x2800, s20;
	[sflag:s16] =	ssyncadd.s32 $0xFFFFF800  }
0x2a: {  	[spmem:s2] =	stream.indirect.scatter.add.f32 [tilespmem:s15], [sflag:$0x2], $0x10, s19, s14, $0xb8;
	[tilespmem:$0x8000] =	vst v63  }
0x2b: {  	_ =	swait.ge [sflag:s12], $0x800  }
0x2c: {  	s19 =	smov.u32 s21;
	[sflag:s12] =	ssyncset.done $0x0  }
0x2d: {  	s18 =	sshra.s32 s18, $0x2;
	[sflag:s12] =	ssyncadd.s32 $0xFFFFF800  }
0x2e: {  	[tilespmem:s15], [sflag:$0x1] =	stream.indirect.gather [hbm4b:s4+s14], $0x10, s18, s14, $0xb8;
	[tilespmem:$0x8000] =	vst v63  }
0x2f: {  	_ =	swait.ge [sflag:s16], $0x800  }
0x30: {  	[sflag:s16] =	ssyncset.done $0x0  }
0x31: {  	s18 =	sadd.s32 $0x2800, s18;
	[sflag:s16] =	ssyncadd.s32 $0xFFFFF800  }
0x32: {  	[spmem:s2] =	stream.indirect.scatter.add.f32 [tilespmem:s15], [sflag:$0x2], $0x10, s18, s14, $0xb8;
	[tilespmem:$0x8000] =	vst v63  }
0x33: {  	_ =	swait.ge [sflag:s12], $0x800  }
0x34: {  	s17 =	sadd.s32 $0x1, s17;
	[sflag:s12] =	ssyncset.done $0x0  }
0x35: {  	p0 =	sne.s32 s17, s10;
	[sflag:s12] =	ssyncadd.s32 $0xFFFFF800  }
.Ltmp1:
0x36: {  	[bflag:$0x0] =	sbarrier.arrive $0xFFFF;
	(pc) =	sbr.rel @p0 .LBB2_1-.Ltmp1, $4  }
0x37: {  	[hbm:s9], [sflag:s6] =	dma.local [spmem:s11], $0x500  }
0x38: {  	_ =	swait.ge [sflag:s12], $0x500  }
0x39: {  	[sflag:s12] =	ssyncset.done $0x0  }
0x3a: {  	[sflag:s12] =	ssyncadd.s32 $0xFFFFFB00  }
0x3b: {  	_ =	sfence.sel $0x180000  }
0x3c: {  	[bflag:$0x0] =	sbarrier.arrive $0xFFFF  }
0x3d: {  	p0 =	sne.s32 s1, $0x0;
	_ =	strace $0x9000004A  }
0x3e: {  	s0 =	sadd.s32 @!p0 $0x100000, s0;
	[bflag:$0x2] =	sbarrier.arrive $0xFFFF  }
0x3f: {  	[sflag:s0] =	ssyncadd.tile.s32 @!p0 $0x1;
	_ =	shalt  }
.Lfunc_end2:
_tile_overlayer_lowered:
.L_overlay_start_2:
0x40: {  	(tag) =	ssettag $0x2  }
0x41: {  	s0 =	rddreg [dreg:$0x0];
	s2 =	stileid.u32  }
0x42: {  	s1 =	rddreg [dreg:$0x1];
	p0 =	sne.s32 s2, $0x0  }
0x43: {  	s3 =	rddreg [dreg:$0x2];
	[bflag:$0x3] =	sbarrier.arrive $0xFFFF;
	s2 =	simm.s32 @!p0 $0x1C02  }
0x44: {  	[timem:s3], [sflag:s2] =	dma.local @!p0 [hbm:s0], s1  }
0x45: {  	s0 =	simm.s32 @!p0 $0x2  }
0x46: {  	_ =	swait.ge @!p0 [sflag:s0], s1  }
0x47: {  	s1 =	ssub.s32 @!p0 $0x0, s1;
	[sflag:s0] =	ssyncset.done @!p0 $0x0  }
0x48: {  	[sflag:s0] =	ssyncadd.s32 @!p0 s1  }
0x49: {  	[bflag:$0x3] =	sbarrier.arrive $0xFFFF  }
0x4a: {  	_ =	shalt  }

// kernel: kernel.14.cloned.1.call-start
scs
__scs_entry_jumppad:
0x0: {  	(pc) =	sbr.rel $0x88, $3  }
0x1: {  	(tag) =	ssettag $0x0;
	lr =	simm.s32 $0x1  }
0x2: {  	[smem:$0x3F9B] =	sst lr;
	_ =	strace $0xD0000000  }
0x3: {  	_ = 	snop  }
0x4: {  	_ = 	snop  }
0x5: {  	_ = 	snop  }
0x6: {  	_ = 	snop  }
0x7: {  	_ = 	snop  }
__scs_overlays_trampoline_lowered:
0x8: {  	[smem:$0x3FAA] =	sst s0  }
0x9: {  	[smem:$0x3FAB] =	sst s1  }
0xa: {  	[smem:$0x3FAC] =	sst s2  }
0xb: {  	[smem:$0x3FAD] =	sst s3  }
0xc: {  	[smem:$0x3FAE] =	sst s4  }
0xd: {  	[smem:$0x3FAF] =	sst s5  }
0xe: {  	[smem:$0x3FB0] =	sst s6  }
0xf: {  	[smem:$0x3FB1] =	sst s7  }
0x10: {  	[smem:$0x3FB2] =	sst s8  }
0x11: {  	[smem:$0x3FB3] =	sst s9;
	s0 =	simm.s32 @!p0 $0x0  }
0x12: {  	s1 =	sld [smem:$0x3F99];
	s0 =	simm.s32 @p0 $0x1  }
0x13: {  	[smem:$0x3FB4] =	sst s0;
	s0 =	simm.s32 @!p1 $0x0  }
0x14: {  	s2 =	sld [smem:$0x3F98];
	s0 =	simm.s32 @p1 $0x1  }
0x15: {  	[smem:$0x3FB5] =	sst s0;
	s0 =	simm.s32 @!p2 $0x0  }
0x16: {  	s3 =	sld [smem:$0x3FDB];
	s0 =	simm.s32 @p2 $0x1  }
0x17: {  	s4 =	simm.s32 $0x1BF5;
	[smem:$0x3FB7] =	sst s0  }
0x18: {  	s0 =	sld [smem:$0x3F9A];
	_ =	swait.ge [sflag:s4], $0x0  }
0x19: {  	s7 =	sld [smem:$0x3F9B]  }
0x1a: {  	s8 =	sadd.s32 $0xFFFFE003, lr  }
0x1b: {  	s9 =	sadd.s32 $0xFFFFFEF7, lr;
	s5 =	simm.s32 $0xFFFFFFFF;
	p2 =	slt.u32 s8, $0xFFFFF086  }
0x1c: {  	p1 =	slt.u32 s9, $0xF7A;
	s5 =	simm.s32 @!p2 $0x0  }
0x1d: {  	s5 =	simm.s32 @p1 $0x1;
	p0 =	seq.s32 s7, s2  }
0x1e: {  	s7 =	smul.u32 @!p0 $0xF7A, s2;
	p2 =	seq.s32 @!p0 s5, $0x0  }
0x1f: {  	s9 =	smul.u32 $0xF7A, s1;
	s8 =	simm.s32 @!p0 $0x1BF5;
	p2 =	por !p2, p0  }
0x20: {  	[sflag:s8] =	ssyncset.s32 @!p0 $0xFFFFF086;
	s6 =	sadd.s32 @!p0 s3, s7;
	s7 =	simm.s32 @!p0 $0x108  }
0x21: {  	s3 =	sadd.s32 s3, s9;
	s6 =	sadd.s32 @!p0 $0x88, s6;
	s7 =	simm.s32 @p2 $0x1082  }
0x22: {  	[simem:s7], [sflag:s8] =	dma.local @!p0 [hbm:s6], $0xF7A  }
0x23: {  	s9 =	sor.u32 $0xD0000000, s2;
	s6 =	simm.s32 $0x108;
	_ =	swait.ge @!p0 [sflag:s8], $0x0  }
0x24: {  	s3 =	sadd.s32 $0x88, s3;
	s6 =	simm.s32 @!p1 $0x1082;
	[sflag:s4] =	ssyncset.s32 $0xFFFFF086  }
0x25: {  	[simem:s6], [sflag:s4] =	dma.local [hbm:s3], $0xF7A  }
0x26: {  	[smem:$0x3F9B] =	sst s1;
	(tag) =	ssettag s2;
	_ =	strace s9  }
0x27: {  	s1 =	sld [smem:$0x3FAB]  }
0x28: {  	s2 =	sld [smem:$0x3FAC]  }
0x29: {  	s4 =	sld [smem:$0x3FAE]  }
0x2a: {  	p0 =	seq.s32 s5, $0x0;
	s5 =	sld [smem:$0x3FAF]  }
0x2b: {  	s6 =	sld [smem:$0x3FB0]  }
0x2c: {  	s7 =	sld [smem:$0x3FB1]  }
0x2d: {  	s3 =	simm.s32 $0x108;
	s8 =	sld [smem:$0x3FB2]  }
0x2e: {  	s3 =	simm.s32 @!p0 $0x1082;
	s9 =	sld [smem:$0x3FB3]  }
0x2f: {  	lr =	sadd.s32 s0, s3;
	s0 =	sld [smem:$0x3FAA]  }
0x30: {  	s3 =	sld [smem:$0x3FAD]  }
0x31: {  	[smem:$0x3FB6] =	sst s10  }
0x32: {  	s10 =	sld [smem:$0x3FB4];
	_ =	sdelay $0x3  }
0x33: {  	p0 =	seq.s32 s10, $0x1;
	s10 =	sld [smem:$0x3FB6];
	_ =	sdelay $0x3  }
0x34: {  	[smem:$0x3FB6] =	sst s10  }
0x35: {  	s10 =	sld [smem:$0x3FB5];
	_ =	sdelay $0x3  }
0x36: {  	p1 =	seq.s32 s10, $0x1;
	s10 =	sld [smem:$0x3FB6];
	_ =	sdelay $0x3  }
0x37: {  	[smem:$0x3FB6] =	sst s10  }
0x38: {  	s10 =	sld [smem:$0x3FB7]  }
0x39: {  	_ = 	snop;
	(pc) =	sbr.ind lr, $3  }
0x3a: {  	_ = 	snop  }
0x3b: {  	_ = 	snop  }
0x3c: {  	p2 =	seq.s32 s10, $0x1;
	s10 =	sld [smem:$0x3FB6]  }
0x3d: {  	_ =	shalt  }
0x3e: {  	_ =	shalt  }
0x3f: {  	_ =	shalt  }
0x40: {  	_ =	shalt  }
0x41: {  	_ =	shalt  }
0x42: {  	_ =	shalt  }
0x43: {  	_ =	shalt  }
0x44: {  	_ =	shalt  }
0x45: {  	_ =	shalt  }
0x46: {  	_ =	shalt  }
0x47: {  	_ =	shalt  }
0x48: {  	_ =	shalt  }
0x49: {  	_ =	shalt  }
0x4a: {  	_ =	shalt  }
0x4b: {  	_ =	shalt  }
0x4c: {  	_ =	shalt  }
0x4d: {  	_ =	shalt  }
0x4e: {  	_ =	shalt  }
0x4f: {  	_ =	shalt  }
0x50: {  	_ =	shalt  }
0x51: {  	_ =	shalt  }
0x52: {  	_ =	shalt  }
0x53: {  	_ =	shalt  }
0x54: {  	_ =	shalt  }
0x55: {  	_ =	shalt  }
0x56: {  	_ =	shalt  }
0x57: {  	_ =	shalt  }
0x58: {  	_ =	shalt  }
0x59: {  	_ =	shalt  }
0x5a: {  	_ =	shalt  }
0x5b: {  	_ =	shalt  }
0x5c: {  	_ =	shalt  }
0x5d: {  	_ =	shalt  }
0x5e: {  	_ =	shalt  }
0x5f: {  	_ =	shalt  }
0x60: {  	_ =	shalt  }
0x61: {  	_ =	shalt  }
0x62: {  	_ =	shalt  }
0x63: {  	_ =	shalt  }
0x64: {  	_ =	shalt  }
0x65: {  	_ =	shalt  }
0x66: {  	_ =	shalt  }
0x67: {  	_ =	shalt  }
0x68: {  	_ =	shalt  }
0x69: {  	_ =	shalt  }
0x6a: {  	_ =	shalt  }
0x6b: {  	_ =	shalt  }
0x6c: {  	_ =	shalt  }
0x6d: {  	_ =	shalt  }
0x6e: {  	_ =	shalt  }
0x6f: {  	_ =	shalt  }
0x70: {  	_ =	shalt  }
0x71: {  	_ =	shalt  }
0x72: {  	_ =	shalt  }
0x73: {  	_ =	shalt  }
0x74: {  	_ =	shalt  }
0x75: {  	_ =	shalt  }
0x76: {  	_ =	shalt  }
0x77: {  	_ =	shalt  }
0x78: {  	_ =	shalt  }
0x79: {  	_ =	shalt  }
0x7a: {  	_ =	shalt  }
0x7b: {  	_ =	shalt  }
0x7c: {  	_ =	shalt  }
0x7d: {  	_ =	shalt  }
0x7e: {  	_ =	shalt  }
0x7f: {  	_ =	shalt  }
0x80: {  	_ =	shalt  }
0x81: {  	_ =	shalt  }
0x82: {  	_ =	shalt  }
0x83: {  	_ =	shalt  }
0x84: {  	_ =	shalt  }
0x85: {  	_ =	shalt  }
0x86: {  	_ =	shalt  }
0x87: {  	_ =	shalt  }
.Lfunc_end0:
.L_simem_size_0:
called_computation.2_lowered:
.L_overlay_start_0:
0x88: {  	s2 =	sld [smem:$0x3FD9]  }
0x89: {  	s3 =	sld [smem:$0x3FFE];
	_ =	sdelay $0x1  }
0x8a: {  	s1 =	srdreg.scid  }
0x8b: {  	s0 =	sand.u32 $0x1, s1  }
0x8c: {  	s17 =	sshll.u32 s0, $0xA;
	s2 =	sadd.s32 s3, s2  }
0x8d: {  	s2 =	sadd.s32 s2, s17  }
0x8e: {  	[smem:$0x3FC2] =	sst s2  }
0x8f: {  	_ = 	snop  }
0x90: {  	s2 =	sld [smem:$0x3FD0];
	(tm) =	ssettm $0x1  }
0x91: {  	s18 =	sld [smem:$0x3FFB];
	_ =	sdelay $0x3  }
0x92: {  	_ =	strace s18  }
0x93: {  	s3 =	sld [smem:$0x3FFC];
	_ =	sdelay $0x3  }
0x94: {  	_ =	strace s3  }
0x95: {  	s3 =	sld [smem:$0x3FFD];
	_ =	sdelay $0x3  }
0x96: {  	_ =	strace s3  }
0x97: {  	_ =	strace $0x8FFFFFFF  }
0x98: {  	s19 =	sld [smem:$0x3FDB];
	_ =	sdelay $0x1  }
0x99: {  	s4 =	simm.s32 $_scs_section_size  }
0x9a: {  	s5 =	simm.s32 $_size__tile_overlayer_lowered;
	s6 =	simm.s32 $_tile_overlayer_lowered  }
0x9b: {  	s22 =	simm.s32 $0x1BFF;
	s21 =	sshll.u32 s6, $0x1;
	s3 =	sadd.s32 s4, s19  }
0x9c: {  	s7 =	simm.s32 $0x0;
	s20 =	sshll.u32 s5, $0x1;
	s5 =	sadd.s32 s21, s3  }
0x9d: {  	[timem:s7], [sflag:s22] =	dma.local [hbm:s5], s20  }
0x9e: {  	_ =	swait.ge [sflag:s22], s20  }
0x9f: {  	s4 =	ssub.s32 $0x0, s20;
	[sflag:s22] =	ssyncset.done $0x0  }
0xa0: {  	[sflag:s22] =	ssyncadd.s32 s4;
	_ =	sdelay $0x1  }
0xa1: {  	s23 =	simm.s32 $0x1B8B  }
0xa2: {  	_ =	swait.ge [sflag:s23], $0x1  }
0xa3: {  	[sflag:s23] =	ssyncset.done $0x0  }
0xa4: {  	s25 =	simm.s32 $0x1B8E;
	s24 =	sld [smem:$0x3FFE];
	[sflag:s23] =	ssyncadd.s32 $0xFFFFFFFF  }
0xa5: {  	s26 =	simm.s32 $execute0_lowered;
	[smem:$0x3FD2] =	sst s25  }
0xa6: {  	s5 =	sshll.u32 s26, $0x1;
	_ =	strace $0x8000004C;
	[dreg:$0x1] =	wrdreg $0xFFFFFFFF  }
0xa7: {  	s28 =	simm.s32 $_size_execute0_lowered;
	s3 =	sadd.s32 s3, s5;
	[dreg:$0x0] =	wrdreg $0x0  }
0xa8: {  	s5 =	sshll.u32 s28, $0x1;
	[dreg:$0x2] =	wrdreg s3  }
0xa9: {  	[dreg:$0x3] =	wrdreg s5  }
0xaa: {  	[dreg:$0x4] =	wrdreg $0xC0  }
0xab: {  	_ =	task [dreg:s7], $0x5FFFF  }
0xac: {  	[dreg:$0x1] =	wrdreg $0xFFFFFFFF  }
0xad: {  	[dreg:$0x0] =	wrdreg $0x60  }
0xae: {  	[dreg:$0x2] =	wrdreg s24  }
0xaf: {  	[dreg:$0x3] =	wrdreg s2  }
0xb0: {  	[dreg:$0x4] =	wrdreg $0x64000  }
0xb1: {  	[dreg:$0x5] =	wrdreg $0x9  }
0xb2: {  	_ =	task.clear_ibuf [dreg:s7], $0x6FFFF;
	_ =	strace $0x9000004C  }
0xb3: {  	s29 =	simm.s32 $0x9;
	_ =	strace $0x8000004E  }
0xb4: {  	_ =	swait.ge [sflag:s29], $0x1  }
0xb5: {  	[sflag:s29] =	ssyncadd.s32 $0xFFFFFFFF  }
0xb6: {  	_ =	strace $0x9000004E  }
0xb7: {  	_ =	sfence  }
0xb8: {  	s30 =	sld [smem:$0x0];
	_ =	sdelay $0x2  }
0xb9: {  	s31 =	sshll.u32 s1, $0xD;
	s1 =	sshrl.u32 s1, $0x2  }
0xba: {  	s3 =	sand.u32 $0x4000, s31;
	s1 =	sadd.s32 s1, s30  }
0xbb: {  	s0 =	sor.u32 s3, s0;
	s1 =	sshll.u32 s1, $0x11  }
0xbc: {  	s0 =	sor.u32 s1, s0  }
0xbd: {  	s0 =	sadd.s32 $0x8F2B, s0  }
0xbe: {  	[sflag:s0] =	ssyncadd.remote.s32 $0x1  }
0xbf: {  	_ =	sfence.sel $0xFFFF  }
0xc0: {  	[dreg:$0x0] =	wrdreg $0xFFFFFFFF;
	(pc) =	sbr.abs _section_cstart, $3  }
0xc1: {  	[dreg:$0x1] =	wrdreg $0xFFFFFFFF  }
0xc2: {  	_ =	task.clear_ibuf [dreg:s7], $0x2FFFF;
	_ =	strace $0x9FFFFFFF  }
0xc3: {  	(tm) =	ssettm $0x7FFFFFFF  }
tec
execute0_lowered:
.L_overlay_start_1:
0x0: {  	(tag) =	ssettag $0x1  }
0x1: {  	s5 =	rddreg [dreg:$0x0]  }
0x2: {  	s7 =	rddreg [dreg:$0x1]  }
0x3: {  	s2 =	rddreg [dreg:$0x2]  }
0x4: {  	s0 =	rddreg [dreg:$0x3];
	s3 =	simm.s32 $0x0;
	s4 =	srdreg.scid  }
0x5: {  	s1 =	stileid.u32;
	s14 =	simm.s32 $0x80;
	s15 =	simm.s32 $0x5000  }
0x6: {  	s16 =	simm.s32 $0x1;
	s17 =	simm.s32 $0x0;
	s6 =	sand.u32 $0x1, s4  }
0x7: {  	s29 =	sshll.u32 s1, $0x1;
	s8 =	smul.u32 $0x6400, s1;
	[smem:$0x7FF] =	sst s3  }
0x8: {  	s31 =	sshll.u32 s1, $0x6;
	s4 =	sor.u32 s6, s29;
	s9 =	smul.u32 $0x64000, s6  }
0x9: {  	_ =	strace $0x8000004D;
	s6 =	ssub.s32 $0x2, s6;
	s10 =	smul.u32 $0x500, s4  }
0xa: {  	s4 =	sadd.s32 $0xB800, s5;
	s12 =	sshrl.u32 s6, $0x1;
	s30 =	sshrl.u32 s8, $0x3  }
0xb: {  	s13 =	sadd.s32 s8, s2;
	s9 =	sadd.s32 s8, s9;
	s12 =	ssub.s32 s6, s12  }
0xc: {  	s6 =	sor.u32 $0x1C02, s31;
	s11 =	sadd.s32 s10, s5;
	s9 =	sshrl.u32 s9, $0x3  }
0xd: {  	s7 =	sadd.s32 s7, s10;
	s10 =	smax.u32 s12, $0x1;
	s12 =	simm.s32 $0x2  }
0xe: {  	s9 =	sadd.s32 s9, s5;
	s5 =	sadd.s32 s4, s30;
	s8 =	sadd.s32 $0x1800, s11  }
0xf: {  	s11 =	sshrl.u32 s13, $0x3;
	s13 =	simm.s32 $0x2800;
	s9 =	sadd.s32 $0x18000, s9  }
.LBB2_1:
0x10: {  	[spmem:s11], [sflag:s6] =	dma.local [hbm:s5], $0xC80  }
0x11: {  	_ =	swait.ge [sflag:s12], $0xC80  }
0x12: {  	[sflag:s12] =	ssyncset.done $0x0  }
0x13: {  	[sflag:s12] =	ssyncadd.s32 $0xFFFFF380  }
0x14: {  	[tilespmem:s3], [sflag:$0x2] =	stream.linear.gather [hbm4b:s7+s3], $0x2800, $0x38;
	[tilespmem:$0xC800] =	vst v63  }
0x15: {  	_ =	swait.ge [sflag:s12], $0x2800  }
0x16: {  	[sflag:s12] =	ssyncset.done $0x0  }
0x17: {  	[sflag:s12] =	ssyncadd.s32 $0xFFFFD800  }
0x18: {  	[tilespmem:s13], [sflag:$0x2] =	stream.linear.gather [hbm4b:s8+s3], $0x2800, $0x38;
	[tilespmem:$0xC800] =	vst v63  }
0x19: {  	_ =	swait.ge [sflag:s12], $0x2800  }
0x1a: {  	[sflag:s12] =	ssyncset.done $0x0  }
0x1b: {  	[sflag:s12] =	ssyncadd.s32 $0xFFFFD800  }
0x1c: {  	s18 =	simm.s32 $0x0;
	[bflag:$0x0] =	sbarrier.arrive $0xFFFF  }
0x1d: {  	[tilespmem:s15], [sflag:$0x1] =	stream.indirect.gather [hbm4b:s4+s14], $0x28, s18, s14, $0xb8;
	[tilespmem:$0xC800] =	vst v63  }
0x1e: {  	_ =	swait.ge [sflag:s16], $0x1400  }
0x1f: {  	[sflag:s16] =	ssyncset.done $0x0  }
0x20: {  	s31 =	simm.s32 $0x2800;
	[sflag:s16] =	ssyncadd.s32 $0xFFFFEC00  }
0x21: {  	[spmem:s2] =	stream.indirect.scatter.add.f32 [tilespmem:s15], [sflag:$0x2], $0x28, s31, s14, $0xb8;
	[tilespmem:$0xC800] =	vst v63  }
0x22: {  	_ =	swait.ge [sflag:s12], $0x1400  }
0x23: {  	s19 =	simm.s32 $0x400;
	s18 =	simm.s32 $0x200;
	[sflag:s12] =	ssyncset.done $0x0  }
.LBB2_2:
0x24: {  	s20 =	sshra.s32 s18, $0x2  }
0x25: {  	[sflag:s12] =	ssyncadd.s32 $0xFFFFEC00;
	s18 =	smov.u32 s19;
	s21 =	sadd.s32 $0x200, s19  }
0x26: {  	[tilespmem:s15], [sflag:$0x1] =	stream.indirect.gather [hbm4b:s4+s14], $0x28, s20, s14, $0xb8;
	[tilespmem:$0xC800] =	vst v63  }
0x27: {  	p0 =	sne.s32 s19, $0x9E00;
	_ =	swait.ge [sflag:s16], $0x1400  }
.Ltmp0:
0x28: {  	[sflag:s16] =	ssyncset.done $0x0;
	(pc) =	sbr.rel @p0 .LBB2_2-.Ltmp0, $4  }
0x29: {  	s19 =	sadd.s32 $0x2800, s20;
	[sflag:s16] =	ssyncadd.s32 $0xFFFFEC00  }
0x2a: {  	[spmem:s2] =	stream.indirect.scatter.add.f32 [tilespmem:s15], [sflag:$0x2], $0x28, s19, s14, $0xb8;
	[tilespmem:$0xC800] =	vst v63  }
0x2b: {  	_ =	swait.ge [sflag:s12], $0x1400  }
0x2c: {  	s19 =	smov.u32 s21;
	[sflag:s12] =	ssyncset.done $0x0  }
0x2d: {  	s18 =	sshra.s32 s18, $0x2;
	[sflag:s12] =	ssyncadd.s32 $0xFFFFEC00  }
0x2e: {  	[tilespmem:s15], [sflag:$0x1] =	stream.indirect.gather [hbm4b:s4+s14], $0x28, s18, s14, $0xb8;
	[tilespmem:$0xC800] =	vst v63  }
0x2f: {  	_ =	swait.ge [sflag:s16], $0x1400  }
0x30: {  	[sflag:s16] =	ssyncset.done $0x0  }
0x31: {  	s18 =	sadd.s32 $0x2800, s18;
	[sflag:s16] =	ssyncadd.s32 $0xFFFFEC00  }
0x32: {  	[spmem:s2] =	stream.indirect.scatter.add.f32 [tilespmem:s15], [sflag:$0x2], $0x28, s18, s14, $0xb8;
	[tilespmem:$0xC800] =	vst v63  }
0x33: {  	_ =	swait.ge [sflag:s12], $0x1400  }
0x34: {  	s17 =	sadd.s32 $0x1, s17;
	[sflag:s12] =	ssyncset.done $0x0  }
0x35: {  	p0 =	sne.s32 s17, s10;
	[sflag:s12] =	ssyncadd.s32 $0xFFFFEC00  }
.Ltmp1:
0x36: {  	[bflag:$0x0] =	sbarrier.arrive $0xFFFF;
	(pc) =	sbr.rel @p0 .LBB2_1-.Ltmp1, $4  }
0x37: {  	[hbm:s9], [sflag:s6] =	dma.local [spmem:s11], $0xC80  }
0x38: {  	_ =	swait.ge [sflag:s12], $0xC80  }
0x39: {  	[sflag:s12] =	ssyncset.done $0x0  }
0x3a: {  	[sflag:s12] =	ssyncadd.s32 $0xFFFFF380  }
0x3b: {  	_ =	sfence.sel $0x180000  }
0x3c: {  	[bflag:$0x0] =	sbarrier.arrive $0xFFFF  }
0x3d: {  	p0 =	sne.s32 s1, $0x0;
	_ =	strace $0x9000004D  }
0x3e: {  	s0 =	sadd.s32 @!p0 $0x100000, s0;
	[bflag:$0x2] =	sbarrier.arrive $0xFFFF  }
0x3f: {  	[sflag:s0] =	ssyncadd.tile.s32 @!p0 $0x1;
	_ =	shalt  }
.Lfunc_end2:
_tile_overlayer_lowered:
.L_overlay_start_2:
0x40: {  	(tag) =	ssettag $0x2  }
0x41: {  	s0 =	rddreg [dreg:$0x0];
	s2 =	stileid.u32  }
0x42: {  	s1 =	rddreg [dreg:$0x1];
	p0 =	sne.s32 s2, $0x0  }
0x43: {  	s3 =	rddreg [dreg:$0x2];
	[bflag:$0x3] =	sbarrier.arrive $0xFFFF;
	s2 =	simm.s32 @!p0 $0x1C02  }
0x44: {  	[timem:s3], [sflag:s2] =	dma.local @!p0 [hbm:s0], s1  }
0x45: {  	s0 =	simm.s32 @!p0 $0x2  }
0x46: {  	_ =	swait.ge @!p0 [sflag:s0], s1  }
0x47: {  	s1 =	ssub.s32 @!p0 $0x0, s1;
	[sflag:s0] =	ssyncset.done @!p0 $0x0  }
0x48: {  	[sflag:s0] =	ssyncadd.s32 @!p0 s1  }
0x49: {  	[bflag:$0x3] =	sbarrier.arrive $0xFFFF  }
0x4a: {  	_ =	shalt  }

// kernel: kernel.8.cloned.1.call-start
scs
__scs_entry_jumppad:
0x0: {  	(pc) =	sbr.rel $0x88, $3  }
0x1: {  	(tag) =	ssettag $0x0;
	lr =	simm.s32 $0x1  }
0x2: {  	[smem:$0x3F9B] =	sst lr;
	_ =	strace $0xD0000000  }
0x3: {  	_ = 	snop  }
0x4: {  	_ = 	snop  }
0x5: {  	_ = 	snop  }
0x6: {  	_ = 	snop  }
0x7: {  	_ = 	snop  }
__scs_overlays_trampoline_lowered:
0x8: {  	[smem:$0x3FAA] =	sst s0  }
0x9: {  	[smem:$0x3FAB] =	sst s1  }
0xa: {  	[smem:$0x3FAC] =	sst s2  }
0xb: {  	[smem:$0x3FAD] =	sst s3  }
0xc: {  	[smem:$0x3FAE] =	sst s4  }
0xd: {  	[smem:$0x3FAF] =	sst s5  }
0xe: {  	[smem:$0x3FB0] =	sst s6  }
0xf: {  	[smem:$0x3FB1] =	sst s7  }
0x10: {  	[smem:$0x3FB2] =	sst s8  }
0x11: {  	[smem:$0x3FB3] =	sst s9;
	s0 =	simm.s32 @!p0 $0x0  }
0x12: {  	s1 =	sld [smem:$0x3F99];
	s0 =	simm.s32 @p0 $0x1  }
0x13: {  	[smem:$0x3FB4] =	sst s0;
	s0 =	simm.s32 @!p1 $0x0  }
0x14: {  	s2 =	sld [smem:$0x3F98];
	s0 =	simm.s32 @p1 $0x1  }
0x15: {  	[smem:$0x3FB5] =	sst s0;
	s0 =	simm.s32 @!p2 $0x0  }
0x16: {  	s3 =	sld [smem:$0x3FDB];
	s0 =	simm.s32 @p2 $0x1  }
0x17: {  	s4 =	simm.s32 $0x1BF5;
	[smem:$0x3FB7] =	sst s0  }
0x18: {  	s0 =	sld [smem:$0x3F9A];
	_ =	swait.ge [sflag:s4], $0x0  }
0x19: {  	s7 =	sld [smem:$0x3F9B]  }
0x1a: {  	s8 =	sadd.s32 $0xFFFFE003, lr  }
0x1b: {  	s9 =	sadd.s32 $0xFFFFFEF7, lr;
	s5 =	simm.s32 $0xFFFFFFFF;
	p2 =	slt.u32 s8, $0xFFFFF086  }
0x1c: {  	p1 =	slt.u32 s9, $0xF7A;
	s5 =	simm.s32 @!p2 $0x0  }
0x1d: {  	s5 =	simm.s32 @p1 $0x1;
	p0 =	seq.s32 s7, s2  }
0x1e: {  	s7 =	smul.u32 @!p0 $0xF7A, s2;
	p2 =	seq.s32 @!p0 s5, $0x0  }
0x1f: {  	s9 =	smul.u32 $0xF7A, s1;
	s8 =	simm.s32 @!p0 $0x1BF5;
	p2 =	por !p2, p0  }
0x20: {  	[sflag:s8] =	ssyncset.s32 @!p0 $0xFFFFF086;
	s6 =	sadd.s32 @!p0 s3, s7;
	s7 =	simm.s32 @!p0 $0x108  }
0x21: {  	s3 =	sadd.s32 s3, s9;
	s6 =	sadd.s32 @!p0 $0x88, s6;
	s7 =	simm.s32 @p2 $0x1082  }
0x22: {  	[simem:s7], [sflag:s8] =	dma.local @!p0 [hbm:s6], $0xF7A  }
0x23: {  	s9 =	sor.u32 $0xD0000000, s2;
	s6 =	simm.s32 $0x108;
	_ =	swait.ge @!p0 [sflag:s8], $0x0  }
0x24: {  	s3 =	sadd.s32 $0x88, s3;
	s6 =	simm.s32 @!p1 $0x1082;
	[sflag:s4] =	ssyncset.s32 $0xFFFFF086  }
0x25: {  	[simem:s6], [sflag:s4] =	dma.local [hbm:s3], $0xF7A  }
0x26: {  	[smem:$0x3F9B] =	sst s1;
	(tag) =	ssettag s2;
	_ =	strace s9  }
0x27: {  	s1 =	sld [smem:$0x3FAB]  }
0x28: {  	s2 =	sld [smem:$0x3FAC]  }
0x29: {  	s4 =	sld [smem:$0x3FAE]  }
0x2a: {  	p0 =	seq.s32 s5, $0x0;
	s5 =	sld [smem:$0x3FAF]  }
0x2b: {  	s6 =	sld [smem:$0x3FB0]  }
0x2c: {  	s7 =	sld [smem:$0x3FB1]  }
0x2d: {  	s3 =	simm.s32 $0x108;
	s8 =	sld [smem:$0x3FB2]  }
0x2e: {  	s3 =	simm.s32 @!p0 $0x1082;
	s9 =	sld [smem:$0x3FB3]  }
0x2f: {  	lr =	sadd.s32 s0, s3;
	s0 =	sld [smem:$0x3FAA]  }
0x30: {  	s3 =	sld [smem:$0x3FAD]  }
0x31: {  	[smem:$0x3FB6] =	sst s10  }
0x32: {  	s10 =	sld [smem:$0x3FB4];
	_ =	sdelay $0x3  }
0x33: {  	p0 =	seq.s32 s10, $0x1;
	s10 =	sld [smem:$0x3FB6];
	_ =	sdelay $0x3  }
0x34: {  	[smem:$0x3FB6] =	sst s10  }
0x35: {  	s10 =	sld [smem:$0x3FB5];
	_ =	sdelay $0x3  }
0x36: {  	p1 =	seq.s32 s10, $0x1;
	s10 =	sld [smem:$0x3FB6];
	_ =	sdelay $0x3  }
0x37: {  	[smem:$0x3FB6] =	sst s10  }
0x38: {  	s10 =	sld [smem:$0x3FB7]  }
0x39: {  	_ = 	snop;
	(pc) =	sbr.ind lr, $3  }
0x3a: {  	_ = 	snop  }
0x3b: {  	_ = 	snop  }
0x3c: {  	p2 =	seq.s32 s10, $0x1;
	s10 =	sld [smem:$0x3FB6]  }
0x3d: {  	_ =	shalt  }
0x3e: {  	_ =	shalt  }
0x3f: {  	_ =	shalt  }
0x40: {  	_ =	shalt  }
0x41: {  	_ =	shalt  }
0x42: {  	_ =	shalt  }
0x43: {  	_ =	shalt  }
0x44: {  	_ =	shalt  }
0x45: {  	_ =	shalt  }
0x46: {  	_ =	shalt  }
0x47: {  	_ =	shalt  }
0x48: {  	_ =	shalt  }
0x49: {  	_ =	shalt  }
0x4a: {  	_ =	shalt  }
0x4b: {  	_ =	shalt  }
0x4c: {  	_ =	shalt  }
0x4d: {  	_ =	shalt  }
0x4e: {  	_ =	shalt  }
0x4f: {  	_ =	shalt  }
0x50: {  	_ =	shalt  }
0x51: {  	_ =	shalt  }
0x52: {  	_ =	shalt  }
0x53: {  	_ =	shalt  }
0x54: {  	_ =	shalt  }
0x55: {  	_ =	shalt  }
0x56: {  	_ =	shalt  }
0x57: {  	_ =	shalt  }
0x58: {  	_ =	shalt  }
0x59: {  	_ =	shalt  }
0x5a: {  	_ =	shalt  }
0x5b: {  	_ =	shalt  }
0x5c: {  	_ =	shalt  }
0x5d: {  	_ =	shalt  }
0x5e: {  	_ =	shalt  }
0x5f: {  	_ =	shalt  }
0x60: {  	_ =	shalt  }
0x61: {  	_ =	shalt  }
0x62: {  	_ =	shalt  }
0x63: {  	_ =	shalt  }
0x64: {  	_ =	shalt  }
0x65: {  	_ =	shalt  }
0x66: {  	_ =	shalt  }
0x67: {  	_ =	shalt  }
0x68: {  	_ =	shalt  }
0x69: {  	_ =	shalt  }
0x6a: {  	_ =	shalt  }
0x6b: {  	_ =	shalt  }
0x6c: {  	_ =	shalt  }
0x6d: {  	_ =	shalt  }
0x6e: {  	_ =	shalt  }
0x6f: {  	_ =	shalt  }
0x70: {  	_ =	shalt  }
0x71: {  	_ =	shalt  }
0x72: {  	_ =	shalt  }
0x73: {  	_ =	shalt  }
0x74: {  	_ =	shalt  }
0x75: {  	_ =	shalt  }
0x76: {  	_ =	shalt  }
0x77: {  	_ =	shalt  }
0x78: {  	_ =	shalt  }
0x79: {  	_ =	shalt  }
0x7a: {  	_ =	shalt  }
0x7b: {  	_ =	shalt  }
0x7c: {  	_ =	shalt  }
0x7d: {  	_ =	shalt  }
0x7e: {  	_ =	shalt  }
0x7f: {  	_ =	shalt  }
0x80: {  	_ =	shalt  }
0x81: {  	_ =	shalt  }
0x82: {  	_ =	shalt  }
0x83: {  	_ =	shalt  }
0x84: {  	_ =	shalt  }
0x85: {  	_ =	shalt  }
0x86: {  	_ =	shalt  }
0x87: {  	_ =	shalt  }
.Lfunc_end0:
.L_simem_size_0:
called_computation_lowered:
.L_overlay_start_0:
0x88: {  	s2 =	sld [smem:$0x3FD9]  }
0x89: {  	s3 =	sld [smem:$0x3FFE];
	_ =	sdelay $0x1  }
0x8a: {  	s1 =	srdreg.scid  }
0x8b: {  	s0 =	sand.u32 $0x1, s1  }
0x8c: {  	s16 =	sshll.u32 s0, $0xA;
	s2 =	sadd.s32 s3, s2  }
0x8d: {  	s2 =	sadd.s32 s2, s16  }
0x8e: {  	[smem:$0x3FC2] =	sst s2  }
0x8f: {  	_ = 	snop  }
0x90: {  	(tm) =	ssettm $0x1  }
0x91: {  	s17 =	sld [smem:$0x3FFB];
	_ =	sdelay $0x3  }
0x92: {  	_ =	strace s17  }
0x93: {  	s2 =	sld [smem:$0x3FFC];
	_ =	sdelay $0x3  }
0x94: {  	_ =	strace s2  }
0x95: {  	s2 =	sld [smem:$0x3FFD];
	_ =	sdelay $0x3  }
0x96: {  	_ =	strace s2  }
0x97: {  	_ =	strace $0x8FFFFFFF  }
0x98: {  	s18 =	sld [smem:$0x3FDB];
	_ =	sdelay $0x1  }
0x99: {  	s19 =	simm.s32 $_scs_section_size  }
0x9a: {  	s4 =	simm.s32 $_size__tile_overlayer_lowered;
	s5 =	simm.s32 $_tile_overlayer_lowered  }
0x9b: {  	s22 =	simm.s32 $0x1BFF;
	s21 =	sshll.u32 s5, $0x1;
	s2 =	sadd.s32 s19, s18  }
0x9c: {  	s6 =	simm.s32 $0x0;
	s20 =	sshll.u32 s4, $0x1;
	s4 =	sadd.s32 s21, s2  }
0x9d: {  	[timem:s6], [sflag:s22] =	dma.local [hbm:s4], s20  }
0x9e: {  	_ =	swait.ge [sflag:s22], s20  }
0x9f: {  	s3 =	ssub.s32 $0x0, s20;
	[sflag:s22] =	ssyncset.done $0x0  }
0xa0: {  	[sflag:s22] =	ssyncadd.s32 s3;
	_ =	sdelay $0x1  }
0xa1: {  	s23 =	simm.s32 $0x1B8B  }
0xa2: {  	_ =	swait.ge [sflag:s23], $0x1  }
0xa3: {  	[sflag:s23] =	ssyncset.done $0x0  }
0xa4: {  	s25 =	simm.s32 $0x1B8E;
	s24 =	sld [smem:$0x3FFE];
	[sflag:s23] =	ssyncadd.s32 $0xFFFFFFFF  }
0xa5: {  	s26 =	simm.s32 $execute0_lowered;
	[smem:$0x3FD2] =	sst s25  }
0xa6: {  	s4 =	sshll.u32 s26, $0x1;
	_ =	strace $0x80000046;
	[dreg:$0x1] =	wrdreg $0xFFFFFFFF  }
0xa7: {  	s28 =	simm.s32 $_size_execute0_lowered;
	s2 =	sadd.s32 s2, s4;
	[dreg:$0x0] =	wrdreg $0x0  }
0xa8: {  	s4 =	sshll.u32 s28, $0x1;
	[dreg:$0x2] =	wrdreg s2  }
0xa9: {  	[dreg:$0x3] =	wrdreg s4  }
0xaa: {  	[dreg:$0x4] =	wrdreg $0xC0  }
0xab: {  	_ =	task [dreg:s6], $0x5FFFF  }
0xac: {  	[dreg:$0x1] =	wrdreg $0xFFFFFFFF  }
0xad: {  	[dreg:$0x0] =	wrdreg $0x60  }
0xae: {  	[dreg:$0x2] =	wrdreg s24  }
0xaf: {  	[dreg:$0x3] =	wrdreg $0x2B000  }
0xb0: {  	[dreg:$0x4] =	wrdreg $0x9  }
0xb1: {  	_ =	task.clear_ibuf [dreg:s6], $0x5FFFF;
	_ =	strace $0x90000046  }
0xb2: {  	s29 =	simm.s32 $0x9;
	_ =	strace $0x80000048  }
0xb3: {  	_ =	swait.ge [sflag:s29], $0x1  }
0xb4: {  	[sflag:s29] =	ssyncadd.s32 $0xFFFFFFFF  }
0xb5: {  	_ =	strace $0x90000048  }
0xb6: {  	_ =	sfence  }
0xb7: {  	s30 =	sld [smem:$0x0];
	_ =	sdelay $0x2  }
0xb8: {  	s31 =	sshll.u32 s1, $0xD;
	s1 =	sshrl.u32 s1, $0x2  }
0xb9: {  	s3 =	sand.u32 $0x4000, s31;
	s1 =	sadd.s32 s1, s30  }
0xba: {  	s0 =	sor.u32 s3, s0;
	s1 =	sshll.u32 s1, $0x11  }
0xbb: {  	s0 =	sor.u32 s1, s0  }
0xbc: {  	s0 =	sadd.s32 $0x8F2B, s0  }
0xbd: {  	[sflag:s0] =	ssyncadd.remote.s32 $0x1  }
0xbe: {  	_ =	sfence.sel $0xFFFF  }
0xbf: {  	[dreg:$0x0] =	wrdreg $0xFFFFFFFF;
	(pc) =	sbr.abs _section_cstart, $3  }
0xc0: {  	[dreg:$0x1] =	wrdreg $0xFFFFFFFF  }
0xc1: {  	_ =	task.clear_ibuf [dreg:s6], $0x2FFFF;
	_ =	strace $0x9FFFFFFF  }
0xc2: {  	(tm) =	ssettm $0x7FFFFFFF  }
0xc3: {  	_ =	shalt  }
tec
execute0_lowered:
.L_overlay_start_1:
0x0: {  	(tag) =	ssettag $0x1  }
0x1: {  	s4 =	rddreg [dreg:$0x0]  }
0x2: {  	s2 =	rddreg [dreg:$0x1]  }
0x3: {  	s3 =	srdreg.scid;
	s1 =	stileid.u32  }
0x4: {  	s0 =	rddreg [dreg:$0x2];
	s10 =	simm.s32 $0x80;
	s11 =	simm.s32 $0x2800  }
0x5: {  	s14 =	simm.s32 $0x20;
	s15 =	simm.s32 $0x10;
	s16 =	simm.s32 $0x0  }
0x6: {  	s5 =	sand.u32 $0x1, s3;
	s6 =	sshll.u32 s1, $0x1;
	s7 =	smul.u32 $0x500, s1  }
0x7: {  	s3 =	simm.s32 $0x0;
	s30 =	smul.u32 $0xA00, s1;
	s12 =	sshll.u32 s1, $0x6  }
0x8: {  	s6 =	sor.u32 s5, s6;
	[smem:$0x7FF] =	sst s3;
	s8 =	sshll.u32 s5, $0x7  }
0x9: {  	s5 =	ssub.s32 $0x2, s5;
	s12 =	sor.u32 $0x1C01, s12;
	s6 =	smul.u32 $0x500, s6  }
0xa: {  	_ =	strace $0x80000047;
	s7 =	sor.u32 s8, s7;
	s31 =	sshrl.u32 s5, $0x1  }
0xb: {  	s8 =	sshrl.u32 s30, $0x2;
	s7 =	sshrl.u32 s7, $0x3;
	s9 =	ssub.s32 s5, s31  }
0xc: {  	s6 =	sadd.s32 s6, s4;
	s7 =	sadd.s32 s7, s4;
	s4 =	sadd.s32 s8, s2  }
0xd: {  	s8 =	simm.s32 $0x2880;
	s5 =	sadd.s32 $0x1800, s6;
	s6 =	sadd.s32 $0xB800, s7  }
0xe: {  	v0 =	vimm.f32 $1.000000000e+00;
	v1 =	vimm.f32 $0.0e+00;
	s7 =	smax.u32 s9, $0x1;
	s9 =	simm.s32 $0x1;
	s13 =	sshrl.u32 s4, $0x3  }
.LBB2_1:
0xf: {  	[tilespmem:$0x2800] =	vst v0  }
0x10: {  	[tilespmem:$0x2810] =	vst v0  }
0x11: {  	[tilespmem:$0x2820] =	vst v0  }
0x12: {  	[tilespmem:$0x2830] =	vst v0  }
0x13: {  	[tilespmem:$0x2840] =	vst v0  }
0x14: {  	[tilespmem:$0x2850] =	vst v0  }
0x15: {  	[tilespmem:$0x2860] =	vst v0  }
0x16: {  	[tilespmem:$0x2870] =	vst v0  }
0x17: {  	[tilespmem:$0x2880] =	vst v1  }
0x18: {  	[tilespmem:$0x2890] =	vst v1  }
0x19: {  	[tilespmem:$0x28A0] =	vst v1  }
0x1a: {  	[tilespmem:$0x28B0] =	vst v1  }
0x1b: {  	[tilespmem:$0x28C0] =	vst v1  }
0x1c: {  	[tilespmem:$0x28D0] =	vst v1  }
0x1d: {  	[tilespmem:$0x28E0] =	vst v1  }
0x1e: {  	[tilespmem:$0x28F0] =	vst v1  }
0x1f: {  	[tilespmem:$0x2900] =	vst v1  }
0x20: {  	[tilespmem:$0x2910] =	vst v1  }
0x21: {  	[tilespmem:$0x2920] =	vst v1  }
0x22: {  	[tilespmem:$0x2930] =	vst v1  }
0x23: {  	[tilespmem:$0x2940] =	vst v1  }
0x24: {  	[tilespmem:$0x2950] =	vst v1  }
0x25: {  	[tilespmem:$0x2960] =	vst v1  }
0x26: {  	[tilespmem:$0x2970] =	vst v1  }
0x27: {  	[tilespmem:$0x2980] =	vst v1  }
0x28: {  	[tilespmem:$0x2990] =	vst v1  }
0x29: {  	[tilespmem:$0x29A0] =	vst v1  }
0x2a: {  	[tilespmem:$0x29B0] =	vst v1  }
0x2b: {  	[tilespmem:$0x29C0] =	vst v1  }
0x2c: {  	[tilespmem:$0x29D0] =	vst v1  }
0x2d: {  	[tilespmem:$0x29E0] =	vst v1  }
0x2e: {  	[tilespmem:$0x29F0] =	vst v1  }
0x2f: {  	[tilespmem:$0x2A00] =	vst v1  }
0x30: {  	[tilespmem:$0x2A10] =	vst v1  }
0x31: {  	[tilespmem:$0x2A20] =	vst v1  }
0x32: {  	[tilespmem:$0x2A30] =	vst v1  }
0x33: {  	[tilespmem:$0x2A40] =	vst v1  }
0x34: {  	[tilespmem:$0x2A50] =	vst v1  }
0x35: {  	[tilespmem:$0x2A60] =	vst v1  }
0x36: {  	[tilespmem:$0x2A70] =	vst v1  }
0x37: {  	[tilespmem:$0x2A80] =	vst v1  }
0x38: {  	[tilespmem:$0x2A90] =	vst v1  }
0x39: {  	[tilespmem:$0x2AA0] =	vst v1  }
0x3a: {  	[tilespmem:$0x2AB0] =	vst v1  }
0x3b: {  	[tilespmem:$0x2AC0] =	vst v1  }
0x3c: {  	[tilespmem:$0x2AD0] =	vst v1  }
0x3d: {  	[tilespmem:$0x2AE0] =	vst v1  }
0x3e: {  	[tilespmem:$0x2AF0] =	vst v1  }
0x3f: {  	[spmem:s4] =	stream.linear.scatter [tilespmem:s8], [sflag:$0x1], $0x280, $0x38;
	[tilespmem:$0x2D80] =	vst v63  }
0x40: {  	_ =	swait.ge [sflag:s9], $0x280  }
0x41: {  	[sflag:s9] =	ssyncset.done $0x0  }
0x42: {  	[sflag:s9] =	ssyncadd.s32 $0xFFFFFD80  }
0x43: {  	[tilespmem:s3], [sflag:$0x1] =	stream.linear.gather [hbm4b:s5+s3], $0x2800, $0x38;
	[tilespmem:$0x2D80] =	vst v63  }
0x44: {  	_ =	swait.ge [sflag:s9], $0x2800  }
0x45: {  	[sflag:s9] =	ssyncset.done $0x0  }
0x46: {  	[sflag:s9] =	ssyncadd.s32 $0xFFFFD800  }
0x47: {  	s17 =	simm.s32 $0x0;
	[bflag:$0x0] =	sbarrier.arrive $0xFFFF  }
0x48: {  	[spmem:s2] =	stream.indirect.scatter.add.f32 [tilespmem:s11], [sflag:$0x1], $0x1, s17, s10, $0xb8;
	[tilespmem:$0x2D80] =	vst v63  }
0x49: {  	_ =	swait.ge [sflag:s9], $0x80  }
0x4a: {  	s17 =	simm.s32 $0x200;
	[sflag:s9] =	ssyncset.done $0x0  }
.LBB2_2:
0x4b: {  	s18 =	sshra.s32 s17, $0x2;
	[sflag:s9] =	ssyncadd.s32 $0xFFFFFF80;
	p0 =	sne.s32 s17, $0x9E00  }
0x4c: {  	[spmem:s2] =	stream.indirect.scatter.add.f32 [tilespmem:s11], [sflag:$0x1], $0x1, s18, s10, $0xb8;
	[tilespmem:$0x2D80] =	vst v63  }
.Ltmp0:
0x4d: {  	_ = 	snop;
	(pc) =	sbr.rel @p0 .LBB2_2-.Ltmp0, $4  }
0x4e: {  	_ = 	snop  }
0x4f: {  	s17 =	sadd.s32 $0x200, s17  }
0x50: {  	_ =	swait.ge [sflag:s9], $0x80  }
0x51: {  	[sflag:s9] =	ssyncset.done $0x0  }
0x52: {  	s16 =	sadd.s32 $0x1, s16  }
0x53: {  	[sflag:s9] =	ssyncadd.s32 $0xFFFFFF80;
	p0 =	sne.s32 s16, s7  }
.Ltmp1:
0x54: {  	[bflag:$0x0] =	sbarrier.arrive $0xFFFF;
	(pc) =	sbr.rel @p0 .LBB2_1-.Ltmp1, $4  }
0x55: {  	[hbm:s6@s14], [sflag:s12] =	dma.strided [spmem:s13@s15], $0x50, s9, $0x10   }
0x56: {  	_ =	swait.ge [sflag:s9], $0x50  }
0x57: {  	[sflag:s9] =	ssyncset.done $0x0  }
0x58: {  	[sflag:s9] =	ssyncadd.s32 $0xFFFFFFB0  }
0x59: {  	_ =	sfence.sel $0x180000  }
0x5a: {  	[bflag:$0x0] =	sbarrier.arrive $0xFFFF  }
0x5b: {  	p0 =	sne.s32 s1, $0x0;
	_ =	strace $0x90000047  }
0x5c: {  	s0 =	sadd.s32 @!p0 $0x100000, s0;
	[bflag:$0x2] =	sbarrier.arrive $0xFFFF  }
0x5d: {  	[sflag:s0] =	ssyncadd.tile.s32 @!p0 $0x1;
	_ =	shalt  }
.Lfunc_end2:
_tile_overlayer_lowered:
.L_overlay_start_2:
0x5e: {  	(tag) =	ssettag $0x2  }
0x5f: {  	s0 =	rddreg [dreg:$0x0];
	s2 =	stileid.u32  }
0x60: {  	s1 =	rddreg [dreg:$0x1];
	p0 =	sne.s32 s2, $0x0  }
0x61: {  	s3 =	rddreg [dreg:$0x2];
	[bflag:$0x3] =	sbarrier.arrive $0xFFFF;
	s2 =	simm.s32 @!p0 $0x1C01  }
0x62: {  	[timem:s3], [sflag:s2] =	dma.local @!p0 [hbm:s0], s1  }
0x63: {  	s0 =	simm.s32 @!p0 $0x1  }
0x64: {  	_ =	swait.ge @!p0 [sflag:s0], s1  }
0x65: {  	s1 =	ssub.s32 @!p0 $0x0, s1;
	[sflag:s0] =	ssyncset.done @!p0 $0x0  }
0x66: {  	[sflag:s0] =	ssyncadd.s32 @!p0 s1  }
0x67: {  	[bflag:$0x3] =	sbarrier.arrive $0xFFFF  }
0x68: {  	_ =	shalt  }

</sc_bundles>
